<compile_context>
chip_gen: v7x
topology: tpu7x:2x2x1
jax: 0.10.2.dev20260603
libtpu: 0.0.44.dev20260713+nightly
codegen_flags: <defaults>
</compile_context>

<pallas_src>
import functools
import math

import jax
import jax.numpy as jnp
from jax import lax
from jax.experimental import pallas as pl
from jax.experimental.pallas import tpu as pltpu
from jax.experimental.pallas import tpu_sc as plsc

N = 10000
E = 160000
D = 128
H = 8
DK = 16

NPAD = 10240
ROWBLK = 512
NBLK = NPAD // ROWBLK

NC = 2
NS = 16
NW = NC * NS
EPAD = 163840
E_PER_W = EPAD // NW
CHUNK = 64
NCHUNK = E_PER_W // CHUNK
ACC_W = 144
ROWS_PER_TILE = NPAD // NS



def _proj_body(xs_ref, xd_ref, wsv_ref, bsv_ref, wq_ref, bq_ref,
               sv_ref, q_ref):
    xs = xs_ref[...]
    xd = xd_ref[...]
    sv_ref[...] = jnp.dot(xs, wsv_ref[...],
                          preferred_element_type=jnp.float32) + bsv_ref[...]
    q_ref[...] = jnp.dot(xd, wq_ref[...],
                         preferred_element_type=jnp.float32) + bq_ref[...]


def _project(xs, xd, wsv, bsv, wq, bq):
    return pl.pallas_call(
        _proj_body,
        grid=(NBLK,),
        in_specs=[
            pl.BlockSpec((ROWBLK, D), lambda i: (i, 0)),
            pl.BlockSpec((ROWBLK, D), lambda i: (i, 0)),
            pl.BlockSpec((D, 2 * D), lambda i: (0, 0)),
            pl.BlockSpec((1, 2 * D), lambda i: (0, 0)),
            pl.BlockSpec((D, D), lambda i: (0, 0)),
            pl.BlockSpec((1, D), lambda i: (0, 0)),
        ],
        out_specs=[
            pl.BlockSpec((ROWBLK, 2 * D), lambda i: (i, 0)),
            pl.BlockSpec((ROWBLK, D), lambda i: (i, 0)),
        ],
        out_shape=[
            jax.ShapeDtypeStruct((NPAD, 2 * D), jnp.float32),
            jax.ShapeDtypeStruct((NPAD, D), jnp.float32),
        ],
    )(xs, xd, wsv, bsv, wq, bq)



def _edge_body(sv_hbm, q_hbm, src_hbm, dst_hbm, out_hbm,
               src_v, dst_v, svrows, qrows, msg, acc, sem1, sem2):
    cid = lax.axis_index("c")
    sid = lax.axis_index("s")
    wid = sid * NC + cid

    zeros16 = jnp.zeros((16,), jnp.float32)

    def _zrow(r, carry):
        for j in range(ACC_W // 16):
            msg[r, pl.ds(j * 16, 16)] = zeros16
        return carry

    lax.fori_loop(0, CHUNK, _zrow, 0)
    for t in range(ROWS_PER_TILE // CHUNK):
        pltpu.sync_copy(msg, acc.at[pl.ds(sid * ROWS_PER_TILE + t * CHUNK,
                                          CHUNK)])
    plsc.subcore_barrier()

    lanes = lax.iota(jnp.int32, 16)

    def _chunk(ci, carry):
        base = wid * E_PER_W + ci * CHUNK
        pltpu.sync_copy(src_hbm.at[pl.ds(base, CHUNK)], src_v)
        pltpu.sync_copy(dst_hbm.at[pl.ds(base, CHUNK)], dst_v)
        cp1 = pltpu.async_copy(sv_hbm.at[src_v], svrows, sem1)
        cp2 = pltpu.async_copy(q_hbm.at[dst_v], qrows, sem2)
        cp1.wait()
        cp2.wait()

        def _edge(e, c2):
            wacc = jnp.zeros((16,), jnp.float32)
            for h in range(H):
                kv = svrows[e, pl.ds(h * DK, DK)]
                qv = qrows[e, pl.ds(h * DK, DK)]
                att = jnp.sum(kv * qv)
                w = jnp.exp(jnp.full((DK,), att, jnp.float32))
                vv = svrows[e, pl.ds(D + h * DK, DK)]
                msg[e, pl.ds(h * DK, DK)] = vv * w
                wacc = wacc + jnp.where(lanes == h, w, 0.0)
            msg[e, pl.ds(D, 16)] = wacc
            return c2

        lax.fori_loop(0, CHUNK, _edge, 0)
        pltpu.sync_copy(msg, acc.at[dst_v], add=True)
        return carry

    lax.fori_loop(0, NCHUNK, _chunk, 0)
    plsc.subcore_barrier()

    r0 = sid * ROWS_PER_TILE
    pltpu.sync_copy(acc.at[pl.ds(r0, ROWS_PER_TILE)],
                    out_hbm.at[cid, pl.ds(r0, ROWS_PER_TILE)])


def _edge_reduce(sv, q2d, src, dst):
    mesh = plsc.VectorSubcoreMesh(core_axis_name="c", subcore_axis_name="s")
    fn = functools.partial(
        pl.kernel,
        mesh=mesh,
        compiler_params=pltpu.CompilerParams(needs_layout_passes=False,
                                             use_tc_tiling_on_sc=False),
        out_type=jax.ShapeDtypeStruct((NC, NPAD, ACC_W), jnp.float32),
        scratch_types=[
            pltpu.VMEM((CHUNK,), jnp.int32),
            pltpu.VMEM((CHUNK,), jnp.int32),
            pltpu.VMEM((CHUNK, 2 * D), jnp.float32),
            pltpu.VMEM((CHUNK, D), jnp.float32),
            pltpu.VMEM((CHUNK, ACC_W), jnp.float32),
            pltpu.VMEM_SHARED((NPAD, ACC_W), jnp.float32),
            pltpu.SemaphoreType.DMA,
            pltpu.SemaphoreType.DMA,
        ],
    )(_edge_body)
    return fn(sv, q2d, src, dst)



def _combine_body(acc_ref, erep_ref, wa_ref, ba_ref, xd_ref, oma_ref,
                  out_ref):
    s = acc_ref[0] + acc_ref[1]
    wv = s[:, :D]
    denom = s[:, D:D + H]
    recip = 1.0 / jnp.where(denom > 0.0, denom, 1.0)
    den_exp = jnp.dot(recip, erep_ref[...],
                      preferred_element_type=jnp.float32)
    t = wv * den_exp
    out_ref[...] = (jnp.dot(t, wa_ref[...],
                            preferred_element_type=jnp.float32)
                    + ba_ref[...] + xd_ref[...] * oma_ref[0, 0])


def _combine(acc, erep, wa_eff, ba_eff, xd, oma):
    return pl.pallas_call(
        _combine_body,
        grid=(NBLK,),
        in_specs=[
            pl.BlockSpec((NC, ROWBLK, ACC_W), lambda i: (0, i, 0)),
            pl.BlockSpec((H, D), lambda i: (0, 0)),
            pl.BlockSpec((D, D), lambda i: (0, 0)),
            pl.BlockSpec((1, D), lambda i: (0, 0)),
            pl.BlockSpec((ROWBLK, D), lambda i: (i, 0)),
            pl.BlockSpec((1, 1), lambda i: (0, 0)),
        ],
        out_specs=pl.BlockSpec((ROWBLK, D), lambda i: (i, 0)),
        out_shape=jax.ShapeDtypeStruct((NPAD, D), jnp.float32),
    )(acc, erep, wa_eff, ba_eff, xd, oma)



def kernel(src_h, dst_h, edge_index, Wk, bk, Wq, bq, Wv, bv, Wa, ba,
           rel_att, rel_msg, rel_pri, skip):
    f32 = jnp.float32
    src_h = src_h.astype(f32)
    dst_h = dst_h.astype(f32)

    scale = rel_pri[0] / math.sqrt(DK)
    A = rel_att[0] * scale[:, None, None]
    M = rel_msg[0]
    WkT = Wk.T.reshape(D, H, DK)
    WvT = Wv.T.reshape(D, H, DK)
    wk_eff = jnp.einsum('ihd,hdf->ihf', WkT, A).reshape(D, D)
    wv_eff = jnp.einsum('ihd,hdf->ihf', WvT, M).reshape(D, D)
    bk_eff = jnp.einsum('hd,hdf->hf', bk.reshape(H, DK), A).reshape(D)
    bv_eff = jnp.einsum('hd,hdf->hf', bv.reshape(H, DK), M).reshape(D)
    wsv = jnp.concatenate([wk_eff, wv_eff], axis=1)
    bsv = jnp.concatenate([bk_eff, bv_eff]).reshape(1, 2 * D)

    xs = jnp.pad(src_h, ((0, NPAD - N), (0, 0)))
    xd = jnp.pad(dst_h, ((0, NPAD - N), (0, 0)))

    sv, q2d = _project(xs, xd, wsv, bsv, Wq.T.astype(f32),
                       bq.reshape(1, D).astype(f32))

    src = edge_index[0].astype(jnp.int32)
    dst = edge_index[1].astype(jnp.int32)
    src = jnp.concatenate([src, jnp.zeros((EPAD - E,), jnp.int32)])
    dst = jnp.concatenate([dst, jnp.full((EPAD - E,), N, jnp.int32)])

    acc = _edge_reduce(sv, q2d, src, dst)

    alpha = jax.nn.sigmoid(skip[0])
    erep = jnp.repeat(jnp.eye(H, dtype=f32), DK, axis=1)
    wa_eff = Wa.T.astype(f32) * alpha
    ba_eff = (ba.astype(f32) * alpha).reshape(1, D)
    oma = (1.0 - alpha).reshape(1, 1).astype(f32)

    out = _combine(acc, erep, wa_eff, ba_eff, xd, oma)
    return out[:N]

# --- scband reference (transcript-rebuilt; emitter-appended) ---
"""Pipeline reference for scband-hgtlayer-22179211116713 (READ-ONLY COPY).

The authoritative reference and input builder live on the scoring server;
editing this copy changes nothing except your own understanding.
"""

import math
import jax, jax.numpy as jnp
import numpy as np

N = 10000
E = 160000
D = 128
H = 8
DK = D // H
R = 1

def setup_inputs(seed: int = 0) -> dict:
    key = jax.random.key(seed)
    ks = jax.random.split(key, 20)
    inp = {}
    inp['src_h'] = jax.random.normal(ks[0], (N, D), jnp.float32)
    inp['dst_h'] = jax.random.normal(ks[1], (N, D), jnp.float32)
    inp['edge_index'] = jax.random.randint(ks[2], (2, E), 0, N)
    s = 1.0 / math.sqrt(D)
    inp['Wk'] = jax.random.normal(ks[3], (D, D), jnp.float32) * s
    inp['bk'] = jnp.zeros((D,), jnp.float32)
    inp['Wq'] = jax.random.normal(ks[4], (D, D), jnp.float32) * s
    inp['bq'] = jnp.zeros((D,), jnp.float32)
    inp['Wv'] = jax.random.normal(ks[5], (D, D), jnp.float32) * s
    inp['bv'] = jnp.zeros((D,), jnp.float32)
    inp['Wa'] = jax.random.normal(ks[6], (D, D), jnp.float32) * s
    inp['ba'] = jnp.zeros((D,), jnp.float32)
    xav = math.sqrt(6.0 / (H * DK * DK + DK * DK))
    inp['rel_att'] = jax.random.uniform(ks[7], (R, H, DK, DK), jnp.float32, -xav, xav)
    inp['rel_msg'] = jax.random.uniform(ks[8], (R, H, DK, DK), jnp.float32, -xav, xav)
    inp['rel_pri'] = jnp.ones((R, H), jnp.float32)
    inp['skip'] = jnp.ones((R,), jnp.float32)
    return inp

def reference(src_h, dst_h, edge_index, Wk, bk, Wq, bq, Wv, bv, Wa, ba, rel_att, rel_msg, rel_pri, skip):
    n, d = dst_h.shape
    h_heads = rel_att.shape[1]
    dk = rel_att.shape[2]
    sqrt_dk = math.sqrt(dk)
    k = (src_h @ Wk.T + bk).reshape(n, h_heads, dk)
    v = (src_h @ Wv.T + bv).reshape(n, h_heads, dk)
    q = (dst_h @ Wq.T + bq).reshape(n, h_heads, dk)
    src = edge_index[0]
    dst = edge_index[1]
    # edge_attention (single relation, etype=0)
    key = jnp.einsum('ehd,hdf->ehf', k[src], rel_att[0])
    att = (q[dst] * key).sum(axis=-1) * rel_pri[0] / sqrt_dk  # [E,H]
    val = jnp.einsum('ehd,hdf->ehf', v[src], rel_msg[0])       # [E,H,dk]
    # reduce: per-dst-node softmax over incoming edges, per head
    m = jax.ops.segment_max(att, dst, num_segments=n)
    att_exp = jnp.exp(att - m[dst])
    denom = jax.ops.segment_sum(att_exp, dst, num_segments=n)
    wv = jax.ops.segment_sum(att_exp[:, :, None] * val, dst, num_segments=n)
    denom_safe = jnp.where(denom > 0, denom, 1.0)
    t = (wv / denom_safe[:, :, None]).reshape(n, d)
    alpha = jax.nn.sigmoid(skip[0])
    trans_out = t @ Wa.T + ba
    out = trans_out * alpha + dst_h * (1.0 - alpha)
    return out

if __name__ == "__main__":
    import jax
    _d = setup_inputs()
    print(jax.jit(kernel)(*tuple(_d.values())))

</pallas_src>

<mosaic_0001>
#map = affine_map<(d0, d1) -> (0, 0)>
#map1 = affine_map<(d0, d1) -> (0)>
#map2 = affine_map<(d0, d1) -> (0, 0, 0)>
module attributes {stable_mosaic.version = 14 : i64} {
  func.func @_edge_body(%arg0: i32, %arg1: i32, %arg2: memref<10240x256xf32, #tpu.memory_space<hbm>>, %arg3: memref<10240x128xf32, #tpu.memory_space<hbm>>, %arg4: memref<163840xi32, #tpu.memory_space<hbm>>, %arg5: memref<163840xi32, #tpu.memory_space<hbm>>, %arg6: memref<2x10240x144xf32, #tpu.memory_space<hbm>>, %arg7: memref<64xi32, #tpu.memory_space<vmem>>, %arg8: memref<64xi32, #tpu.memory_space<vmem>>, %arg9: memref<64x256xf32, #tpu.memory_space<vmem>>, %arg10: memref<64x128xf32, #tpu.memory_space<vmem>>, %arg11: memref<64x144xf32, #tpu.memory_space<vmem>>, %arg12: memref<10240x144xf32, #tpu.memory_space<vmem_shared>>, %arg13: memref<!tpu.dma_semaphore, #tpu.memory_space<semaphore_mem>>, %arg14: memref<!tpu.dma_semaphore, #tpu.memory_space<semaphore_mem>>) attributes {dimension_semantics = [#tpu.dimension_semantics<core_parallel>, #tpu.dimension_semantics<subcore_parallel>], iteration_bounds = array<i64: 2, 16>, scalar_prefetch = 0 : i64, scratch_operands = 8 : i64, tpu.core_type = #tpu.core_type<sc_vector_subcore>, window_params = [{transform_indices = #map}, {transform_indices = #map}, {transform_indices = #map1}, {transform_indices = #map1}, {transform_indices = #map2}]} {
    %mul3A = arith.constant 2 : i32
    %mul3A_0 = arith.muli %arg1, %mul3A : i32
    %add3A = arith.addi %mul3A_0, %arg0 : i32
    %broadcast_in_dim3A = arith.constant 0.000000e+00 : f32
    %broadcast_in_dim3A_1 = vector.broadcast %broadcast_in_dim3A : f32 to vector<16xf32>
    %scan3A = arith.constant 0 : i32
    %scan3A_2 = arith.constant 0 : i32
    %scan3A_3 = arith.constant 64 : i32
    %scan3A_4 = arith.addi %scan3A_2, %scan3A_3 : i32
    %scan3A_5 = arith.constant 1 : i32
    scf.for %scan3A_56 = %scan3A_2 to %scan3A_4 step %scan3A_5  : i32 {
      %swap3A = arith.index_cast %scan3A_56 : i32 to index
      %swap3A_57 = arith.constant 0 : index
      %swap3A_58 = tpu.vector_load %arg11[%swap3A, %swap3A_57] {strides = array<i32>} : memref<64x144xf32, #tpu.memory_space<vmem>>, vector<16xf32>,
      tpu.vector_store %arg11[%swap3A, %swap3A_57], %broadcast_in_dim3A_1 {strides = array<i32>} : memref<64x144xf32, #tpu.memory_space<vmem>>, vector<16xf32>,
      %swap3A_59 = arith.index_cast %scan3A_56 : i32 to index
      %swap3A_60 = arith.constant 16 : index
      %swap3A_61 = tpu.vector_load %arg11[%swap3A_59, %swap3A_60] {strides = array<i32>} : memref<64x144xf32, #tpu.memory_space<vmem>>, vector<16xf32>,
      tpu.vector_store %arg11[%swap3A_59, %swap3A_60], %broadcast_in_dim3A_1 {strides = array<i32>} : memref<64x144xf32, #tpu.memory_space<vmem>>, vector<16xf32>,
      %swap3A_62 = arith.index_cast %scan3A_56 : i32 to index
      %swap3A_63 = arith.constant 32 : index
      %swap3A_64 = tpu.vector_load %arg11[%swap3A_62, %swap3A_63] {strides = array<i32>} : memref<64x144xf32, #tpu.memory_space<vmem>>, vector<16xf32>,
      tpu.vector_store %arg11[%swap3A_62, %swap3A_63], %broadcast_in_dim3A_1 {strides = array<i32>} : memref<64x144xf32, #tpu.memory_space<vmem>>, vector<16xf32>,
      %swap3A_65 = arith.index_cast %scan3A_56 : i32 to index
      %swap3A_66 = arith.constant 48 : index
      %swap3A_67 = tpu.vector_load %arg11[%swap3A_65, %swap3A_66] {strides = array<i32>} : memref<64x144xf32, #tpu.memory_space<vmem>>, vector<16xf32>,
      tpu.vector_store %arg11[%swap3A_65, %swap3A_66], %broadcast_in_dim3A_1 {strides = array<i32>} : memref<64x144xf32, #tpu.memory_space<vmem>>, vector<16xf32>,
      %swap3A_68 = arith.index_cast %scan3A_56 : i32 to index
      %swap3A_69 = arith.constant 64 : index
      %swap3A_70 = tpu.vector_load %arg11[%swap3A_68, %swap3A_69] {strides = array<i32>} : memref<64x144xf32, #tpu.memory_space<vmem>>, vector<16xf32>,
      tpu.vector_store %arg11[%swap3A_68, %swap3A_69], %broadcast_in_dim3A_1 {strides = array<i32>} : memref<64x144xf32, #tpu.memory_space<vmem>>, vector<16xf32>,
      %swap3A_71 = arith.index_cast %scan3A_56 : i32 to index
      %swap3A_72 = arith.constant 80 : index
      %swap3A_73 = tpu.vector_load %arg11[%swap3A_71, %swap3A_72] {strides = array<i32>} : memref<64x144xf32, #tpu.memory_space<vmem>>, vector<16xf32>,
      tpu.vector_store %arg11[%swap3A_71, %swap3A_72], %broadcast_in_dim3A_1 {strides = array<i32>} : memref<64x144xf32, #tpu.memory_space<vmem>>, vector<16xf32>,
      %swap3A_74 = arith.index_cast %scan3A_56 : i32 to index
      %swap3A_75 = arith.constant 96 : index
      %swap3A_76 = tpu.vector_load %arg11[%swap3A_74, %swap3A_75] {strides = array<i32>} : memref<64x144xf32, #tpu.memory_space<vmem>>, vector<16xf32>,
      tpu.vector_store %arg11[%swap3A_74, %swap3A_75], %broadcast_in_dim3A_1 {strides = array<i32>} : memref<64x144xf32, #tpu.memory_space<vmem>>, vector<16xf32>,
      %swap3A_77 = arith.index_cast %scan3A_56 : i32 to index
      %swap3A_78 = arith.constant 112 : index
      %swap3A_79 = tpu.vector_load %arg11[%swap3A_77, %swap3A_78] {strides = array<i32>} : memref<64x144xf32, #tpu.memory_space<vmem>>, vector<16xf32>,
      tpu.vector_store %arg11[%swap3A_77, %swap3A_78], %broadcast_in_dim3A_1 {strides = array<i32>} : memref<64x144xf32, #tpu.memory_space<vmem>>, vector<16xf32>,
      %swap3A_80 = arith.index_cast %scan3A_56 : i32 to index
      %swap3A_81 = arith.constant 128 : index
      %swap3A_82 = tpu.vector_load %arg11[%swap3A_80, %swap3A_81] {strides = array<i32>} : memref<64x144xf32, #tpu.memory_space<vmem>>, vector<16xf32>,
      tpu.vector_store %arg11[%swap3A_80, %swap3A_81], %broadcast_in_dim3A_1 {strides = array<i32>} : memref<64x144xf32, #tpu.memory_space<vmem>>, vector<16xf32>,
    }
    %scan3A_6 = arith.constant 64 : i32
    %mul3A_7 = arith.constant 640 : i32
    %mul3A_8 = arith.muli %arg1, %mul3A_7 : i32
    %add3A_9 = arith.constant 0 : i32
    %add3A_10 = arith.addi %mul3A_8, %add3A_9 : i32
    "tpu.region"() ({
      %run_scoped3A = tpu.sem_alloc : memref<!tpu.dma_semaphore, #tpu.memory_space<semaphore_mem>>
      %dma_start3A = arith.constant 0 : i32
      %dma_start3A_56 = tpu.memref_slice %arg12[%add3A_10, %dma_start3A] : memref<10240x144xf32, #tpu.memory_space<vmem_shared>> -> memref<64x144xf32, #tpu.memory_space<vmem_shared>>
      %dma_start3A_57 = arith.constant 0 : i32
      %dma_start3A_58 = tpu.memref_slice %arg12[%add3A_10, %dma_start3A_57] : memref<10240x144xf32, #tpu.memory_space<vmem_shared>> -> memref<64x144xf32, #tpu.memory_space<vmem_shared>>
      tpu.enqueue_dma source(%arg11 : memref<64x144xf32, #tpu.memory_space<vmem>>) target(%dma_start3A_58 : memref<64x144xf32, #tpu.memory_space<vmem_shared>>) target_semaphore(%run_scoped3A : memref<!tpu.dma_semaphore, #tpu.memory_space<semaphore_mem>>)
      %dma_wait3A = arith.constant 0 : i32
      %dma_wait3A_59 = tpu.memref_slice %arg12[%add3A_10, %dma_wait3A] : memref<10240x144xf32, #tpu.memory_space<vmem_shared>> -> memref<64x144xf32, #tpu.memory_space<vmem_shared>>
      %dma_wait3A_60 = arith.constant 0 : i32
      %dma_wait3A_61 = tpu.memref_slice %arg12[%add3A_10, %dma_wait3A_60] : memref<10240x144xf32, #tpu.memory_space<vmem_shared>> -> memref<64x144xf32, #tpu.memory_space<vmem_shared>>
      tpu.wait_dma2 semaphore(%run_scoped3A : memref<!tpu.dma_semaphore, #tpu.memory_space<semaphore_mem>>) src(%arg11 : memref<64x144xf32, #tpu.memory_space<vmem>>) dst(%dma_wait3A_61 : memref<64x144xf32, #tpu.memory_space<vmem_shared>>)
      tpu.yield
    }) : () -> ()
    %mul3A_11 = arith.constant 640 : i32
    %mul3A_12 = arith.muli %arg1, %mul3A_11 : i32
    %add3A_13 = arith.constant 64 : i32
    %add3A_14 = arith.addi %mul3A_12, %add3A_13 : i32
    "tpu.region"() ({
      %run_scoped3A = tpu.sem_alloc : memref<!tpu.dma_semaphore, #tpu.memory_space<semaphore_mem>>
      %dma_start3A = arith.constant 0 : i32
      %dma_start3A_56 = tpu.memref_slice %arg12[%add3A_14, %dma_start3A] : memref<10240x144xf32, #tpu.memory_space<vmem_shared>> -> memref<64x144xf32, #tpu.memory_space<vmem_shared>>
      %dma_start3A_57 = arith.constant 0 : i32
      %dma_start3A_58 = tpu.memref_slice %arg12[%add3A_14, %dma_start3A_57] : memref<10240x144xf32, #tpu.memory_space<vmem_shared>> -> memref<64x144xf32, #tpu.memory_space<vmem_shared>>
      tpu.enqueue_dma source(%arg11 : memref<64x144xf32, #tpu.memory_space<vmem>>) target(%dma_start3A_58 : memref<64x144xf32, #tpu.memory_space<vmem_shared>>) target_semaphore(%run_scoped3A : memref<!tpu.dma_semaphore, #tpu.memory_space<semaphore_mem>>)
      %dma_wait3A = arith.constant 0 : i32
      %dma_wait3A_59 = tpu.memref_slice %arg12[%add3A_14, %dma_wait3A] : memref<10240x144xf32, #tpu.memory_space<vmem_shared>> -> memref<64x144xf32, #tpu.memory_space<vmem_shared>>
      %dma_wait3A_60 = arith.constant 0 : i32
      %dma_wait3A_61 = tpu.memref_slice %arg12[%add3A_14, %dma_wait3A_60] : memref<10240x144xf32, #tpu.memory_space<vmem_shared>> -> memref<64x144xf32, #tpu.memory_space<vmem_shared>>
      tpu.wait_dma2 semaphore(%run_scoped3A : memref<!tpu.dma_semaphore, #tpu.memory_space<semaphore_mem>>) src(%arg11 : memref<64x144xf32, #tpu.memory_space<vmem>>) dst(%dma_wait3A_61 : memref<64x144xf32, #tpu.memory_space<vmem_shared>>)
      tpu.yield
    }) : () -> ()
    %mul3A_15 = arith.constant 640 : i32
    %mul3A_16 = arith.muli %arg1, %mul3A_15 : i32
    %add3A_17 = arith.constant 128 : i32
    %add3A_18 = arith.addi %mul3A_16, %add3A_17 : i32
    "tpu.region"() ({
      %run_scoped3A = tpu.sem_alloc : memref<!tpu.dma_semaphore, #tpu.memory_space<semaphore_mem>>
      %dma_start3A = arith.constant 0 : i32
      %dma_start3A_56 = tpu.memref_slice %arg12[%add3A_18, %dma_start3A] : memref<10240x144xf32, #tpu.memory_space<vmem_shared>> -> memref<64x144xf32, #tpu.memory_space<vmem_shared>>
      %dma_start3A_57 = arith.constant 0 : i32
      %dma_start3A_58 = tpu.memref_slice %arg12[%add3A_18, %dma_start3A_57] : memref<10240x144xf32, #tpu.memory_space<vmem_shared>> -> memref<64x144xf32, #tpu.memory_space<vmem_shared>>
      tpu.enqueue_dma source(%arg11 : memref<64x144xf32, #tpu.memory_space<vmem>>) target(%dma_start3A_58 : memref<64x144xf32, #tpu.memory_space<vmem_shared>>) target_semaphore(%run_scoped3A : memref<!tpu.dma_semaphore, #tpu.memory_space<semaphore_mem>>)
      %dma_wait3A = arith.constant 0 : i32
      %dma_wait3A_59 = tpu.memref_slice %arg12[%add3A_18, %dma_wait3A] : memref<10240x144xf32, #tpu.memory_space<vmem_shared>> -> memref<64x144xf32, #tpu.memory_space<vmem_shared>>
      %dma_wait3A_60 = arith.constant 0 : i32
      %dma_wait3A_61 = tpu.memref_slice %arg12[%add3A_18, %dma_wait3A_60] : memref<10240x144xf32, #tpu.memory_space<vmem_shared>> -> memref<64x144xf32, #tpu.memory_space<vmem_shared>>
      tpu.wait_dma2 semaphore(%run_scoped3A : memref<!tpu.dma_semaphore, #tpu.memory_space<semaphore_mem>>) src(%arg11 : memref<64x144xf32, #tpu.memory_space<vmem>>) dst(%dma_wait3A_61 : memref<64x144xf32, #tpu.memory_space<vmem_shared>>)
      tpu.yield
    }) : () -> ()
    %mul3A_19 = arith.constant 640 : i32
    %mul3A_20 = arith.muli %arg1, %mul3A_19 : i32
    %add3A_21 = arith.constant 192 : i32
    %add3A_22 = arith.addi %mul3A_20, %add3A_21 : i32
    "tpu.region"() ({
      %run_scoped3A = tpu.sem_alloc : memref<!tpu.dma_semaphore, #tpu.memory_space<semaphore_mem>>
      %dma_start3A = arith.constant 0 : i32
      %dma_start3A_56 = tpu.memref_slice %arg12[%add3A_22, %dma_start3A] : memref<10240x144xf32, #tpu.memory_space<vmem_shared>> -> memref<64x144xf32, #tpu.memory_space<vmem_shared>>
      %dma_start3A_57 = arith.constant 0 : i32
      %dma_start3A_58 = tpu.memref_slice %arg12[%add3A_22, %dma_start3A_57] : memref<10240x144xf32, #tpu.memory_space<vmem_shared>> -> memref<64x144xf32, #tpu.memory_space<vmem_shared>>
      tpu.enqueue_dma source(%arg11 : memref<64x144xf32, #tpu.memory_space<vmem>>) target(%dma_start3A_58 : memref<64x144xf32, #tpu.memory_space<vmem_shared>>) target_semaphore(%run_scoped3A : memref<!tpu.dma_semaphore, #tpu.memory_space<semaphore_mem>>)
      %dma_wait3A = arith.constant 0 : i32
      %dma_wait3A_59 = tpu.memref_slice %arg12[%add3A_22, %dma_wait3A] : memref<10240x144xf32, #tpu.memory_space<vmem_shared>> -> memref<64x144xf32, #tpu.memory_space<vmem_shared>>
      %dma_wait3A_60 = arith.constant 0 : i32
      %dma_wait3A_61 = tpu.memref_slice %arg12[%add3A_22, %dma_wait3A_60] : memref<10240x144xf32, #tpu.memory_space<vmem_shared>> -> memref<64x144xf32, #tpu.memory_space<vmem_shared>>
      tpu.wait_dma2 semaphore(%run_scoped3A : memref<!tpu.dma_semaphore, #tpu.memory_space<semaphore_mem>>) src(%arg11 : memref<64x144xf32, #tpu.memory_space<vmem>>) dst(%dma_wait3A_61 : memref<64x144xf32, #tpu.memory_space<vmem_shared>>)
      tpu.yield
    }) : () -> ()
    %mul3A_23 = arith.constant 640 : i32
    %mul3A_24 = arith.muli %arg1, %mul3A_23 : i32
    %add3A_25 = arith.constant 256 : i32
    %add3A_26 = arith.addi %mul3A_24, %add3A_25 : i32
    "tpu.region"() ({
      %run_scoped3A = tpu.sem_alloc : memref<!tpu.dma_semaphore, #tpu.memory_space<semaphore_mem>>
      %dma_start3A = arith.constant 0 : i32
      %dma_start3A_56 = tpu.memref_slice %arg12[%add3A_26, %dma_start3A] : memref<10240x144xf32, #tpu.memory_space<vmem_shared>> -> memref<64x144xf32, #tpu.memory_space<vmem_shared>>
      %dma_start3A_57 = arith.constant 0 : i32
      %dma_start3A_58 = tpu.memref_slice %arg12[%add3A_26, %dma_start3A_57] : memref<10240x144xf32, #tpu.memory_space<vmem_shared>> -> memref<64x144xf32, #tpu.memory_space<vmem_shared>>
      tpu.enqueue_dma source(%arg11 : memref<64x144xf32, #tpu.memory_space<vmem>>) target(%dma_start3A_58 : memref<64x144xf32, #tpu.memory_space<vmem_shared>>) target_semaphore(%run_scoped3A : memref<!tpu.dma_semaphore, #tpu.memory_space<semaphore_mem>>)
      %dma_wait3A = arith.constant 0 : i32
      %dma_wait3A_59 = tpu.memref_slice %arg12[%add3A_26, %dma_wait3A] : memref<10240x144xf32, #tpu.memory_space<vmem_shared>> -> memref<64x144xf32, #tpu.memory_space<vmem_shared>>
      %dma_wait3A_60 = arith.constant 0 : i32
      %dma_wait3A_61 = tpu.memref_slice %arg12[%add3A_26, %dma_wait3A_60] : memref<10240x144xf32, #tpu.memory_space<vmem_shared>> -> memref<64x144xf32, #tpu.memory_space<vmem_shared>>
      tpu.wait_dma2 semaphore(%run_scoped3A : memref<!tpu.dma_semaphore, #tpu.memory_space<semaphore_mem>>) src(%arg11 : memref<64x144xf32, #tpu.memory_space<vmem>>) dst(%dma_wait3A_61 : memref<64x144xf32, #tpu.memory_space<vmem_shared>>)
      tpu.yield
    }) : () -> ()
    %mul3A_27 = arith.constant 640 : i32
    %mul3A_28 = arith.muli %arg1, %mul3A_27 : i32
    %add3A_29 = arith.constant 320 : i32
    %add3A_30 = arith.addi %mul3A_28, %add3A_29 : i32
    "tpu.region"() ({
      %run_scoped3A = tpu.sem_alloc : memref<!tpu.dma_semaphore, #tpu.memory_space<semaphore_mem>>
      %dma_start3A = arith.constant 0 : i32
      %dma_start3A_56 = tpu.memref_slice %arg12[%add3A_30, %dma_start3A] : memref<10240x144xf32, #tpu.memory_space<vmem_shared>> -> memref<64x144xf32, #tpu.memory_space<vmem_shared>>
      %dma_start3A_57 = arith.constant 0 : i32
      %dma_start3A_58 = tpu.memref_slice %arg12[%add3A_30, %dma_start3A_57] : memref<10240x144xf32, #tpu.memory_space<vmem_shared>> -> memref<64x144xf32, #tpu.memory_space<vmem_shared>>
      tpu.enqueue_dma source(%arg11 : memref<64x144xf32, #tpu.memory_space<vmem>>) target(%dma_start3A_58 : memref<64x144xf32, #tpu.memory_space<vmem_shared>>) target_semaphore(%run_scoped3A : memref<!tpu.dma_semaphore, #tpu.memory_space<semaphore_mem>>)
      %dma_wait3A = arith.constant 0 : i32
      %dma_wait3A_59 = tpu.memref_slice %arg12[%add3A_30, %dma_wait3A] : memref<10240x144xf32, #tpu.memory_space<vmem_shared>> -> memref<64x144xf32, #tpu.memory_space<vmem_shared>>
      %dma_wait3A_60 = arith.constant 0 : i32
      %dma_wait3A_61 = tpu.memref_slice %arg12[%add3A_30, %dma_wait3A_60] : memref<10240x144xf32, #tpu.memory_space<vmem_shared>> -> memref<64x144xf32, #tpu.memory_space<vmem_shared>>
      tpu.wait_dma2 semaphore(%run_scoped3A : memref<!tpu.dma_semaphore, #tpu.memory_space<semaphore_mem>>) src(%arg11 : memref<64x144xf32, #tpu.memory_space<vmem>>) dst(%dma_wait3A_61 : memref<64x144xf32, #tpu.memory_space<vmem_shared>>)
      tpu.yield
    }) : () -> ()
    %mul3A_31 = arith.constant 640 : i32
    %mul3A_32 = arith.muli %arg1, %mul3A_31 : i32
    %add3A_33 = arith.constant 384 : i32
    %add3A_34 = arith.addi %mul3A_32, %add3A_33 : i32
    "tpu.region"() ({
      %run_scoped3A = tpu.sem_alloc : memref<!tpu.dma_semaphore, #tpu.memory_space<semaphore_mem>>
      %dma_start3A = arith.constant 0 : i32
      %dma_start3A_56 = tpu.memref_slice %arg12[%add3A_34, %dma_start3A] : memref<10240x144xf32, #tpu.memory_space<vmem_shared>> -> memref<64x144xf32, #tpu.memory_space<vmem_shared>>
      %dma_start3A_57 = arith.constant 0 : i32
      %dma_start3A_58 = tpu.memref_slice %arg12[%add3A_34, %dma_start3A_57] : memref<10240x144xf32, #tpu.memory_space<vmem_shared>> -> memref<64x144xf32, #tpu.memory_space<vmem_shared>>
      tpu.enqueue_dma source(%arg11 : memref<64x144xf32, #tpu.memory_space<vmem>>) target(%dma_start3A_58 : memref<64x144xf32, #tpu.memory_space<vmem_shared>>) target_semaphore(%run_scoped3A : memref<!tpu.dma_semaphore, #tpu.memory_space<semaphore_mem>>)
      %dma_wait3A = arith.constant 0 : i32
      %dma_wait3A_59 = tpu.memref_slice %arg12[%add3A_34, %dma_wait3A] : memref<10240x144xf32, #tpu.memory_space<vmem_shared>> -> memref<64x144xf32, #tpu.memory_space<vmem_shared>>
      %dma_wait3A_60 = arith.constant 0 : i32
      %dma_wait3A_61 = tpu.memref_slice %arg12[%add3A_34, %dma_wait3A_60] : memref<10240x144xf32, #tpu.memory_space<vmem_shared>> -> memref<64x144xf32, #tpu.memory_space<vmem_shared>>
      tpu.wait_dma2 semaphore(%run_scoped3A : memref<!tpu.dma_semaphore, #tpu.memory_space<semaphore_mem>>) src(%arg11 : memref<64x144xf32, #tpu.memory_space<vmem>>) dst(%dma_wait3A_61 : memref<64x144xf32, #tpu.memory_space<vmem_shared>>)
      tpu.yield
    }) : () -> ()
    %mul3A_35 = arith.constant 640 : i32
    %mul3A_36 = arith.muli %arg1, %mul3A_35 : i32
    %add3A_37 = arith.constant 448 : i32
    %add3A_38 = arith.addi %mul3A_36, %add3A_37 : i32
    "tpu.region"() ({
      %run_scoped3A = tpu.sem_alloc : memref<!tpu.dma_semaphore, #tpu.memory_space<semaphore_mem>>
      %dma_start3A = arith.constant 0 : i32
      %dma_start3A_56 = tpu.memref_slice %arg12[%add3A_38, %dma_start3A] : memref<10240x144xf32, #tpu.memory_space<vmem_shared>> -> memref<64x144xf32, #tpu.memory_space<vmem_shared>>
      %dma_start3A_57 = arith.constant 0 : i32
      %dma_start3A_58 = tpu.memref_slice %arg12[%add3A_38, %dma_start3A_57] : memref<10240x144xf32, #tpu.memory_space<vmem_shared>> -> memref<64x144xf32, #tpu.memory_space<vmem_shared>>
      tpu.enqueue_dma source(%arg11 : memref<64x144xf32, #tpu.memory_space<vmem>>) target(%dma_start3A_58 : memref<64x144xf32, #tpu.memory_space<vmem_shared>>) target_semaphore(%run_scoped3A : memref<!tpu.dma_semaphore, #tpu.memory_space<semaphore_mem>>)
      %dma_wait3A = arith.constant 0 : i32
      %dma_wait3A_59 = tpu.memref_slice %arg12[%add3A_38, %dma_wait3A] : memref<10240x144xf32, #tpu.memory_space<vmem_shared>> -> memref<64x144xf32, #tpu.memory_space<vmem_shared>>
      %dma_wait3A_60 = arith.constant 0 : i32
      %dma_wait3A_61 = tpu.memref_slice %arg12[%add3A_38, %dma_wait3A_60] : memref<10240x144xf32, #tpu.memory_space<vmem_shared>> -> memref<64x144xf32, #tpu.memory_space<vmem_shared>>
      tpu.wait_dma2 semaphore(%run_scoped3A : memref<!tpu.dma_semaphore, #tpu.memory_space<semaphore_mem>>) src(%arg11 : memref<64x144xf32, #tpu.memory_space<vmem>>) dst(%dma_wait3A_61 : memref<64x144xf32, #tpu.memory_space<vmem_shared>>)
      tpu.yield
    }) : () -> ()
    %mul3A_39 = arith.constant 640 : i32
    %mul3A_40 = arith.muli %arg1, %mul3A_39 : i32
    %add3A_41 = arith.constant 512 : i32
    %add3A_42 = arith.addi %mul3A_40, %add3A_41 : i32
    "tpu.region"() ({
      %run_scoped3A = tpu.sem_alloc : memref<!tpu.dma_semaphore, #tpu.memory_space<semaphore_mem>>
      %dma_start3A = arith.constant 0 : i32
      %dma_start3A_56 = tpu.memref_slice %arg12[%add3A_42, %dma_start3A] : memref<10240x144xf32, #tpu.memory_space<vmem_shared>> -> memref<64x144xf32, #tpu.memory_space<vmem_shared>>
      %dma_start3A_57 = arith.constant 0 : i32
      %dma_start3A_58 = tpu.memref_slice %arg12[%add3A_42, %dma_start3A_57] : memref<10240x144xf32, #tpu.memory_space<vmem_shared>> -> memref<64x144xf32, #tpu.memory_space<vmem_shared>>
      tpu.enqueue_dma source(%arg11 : memref<64x144xf32, #tpu.memory_space<vmem>>) target(%dma_start3A_58 : memref<64x144xf32, #tpu.memory_space<vmem_shared>>) target_semaphore(%run_scoped3A : memref<!tpu.dma_semaphore, #tpu.memory_space<semaphore_mem>>)
      %dma_wait3A = arith.constant 0 : i32
      %dma_wait3A_59 = tpu.memref_slice %arg12[%add3A_42, %dma_wait3A] : memref<10240x144xf32, #tpu.memory_space<vmem_shared>> -> memref<64x144xf32, #tpu.memory_space<vmem_shared>>
      %dma_wait3A_60 = arith.constant 0 : i32
      %dma_wait3A_61 = tpu.memref_slice %arg12[%add3A_42, %dma_wait3A_60] : memref<10240x144xf32, #tpu.memory_space<vmem_shared>> -> memref<64x144xf32, #tpu.memory_space<vmem_shared>>
      tpu.wait_dma2 semaphore(%run_scoped3A : memref<!tpu.dma_semaphore, #tpu.memory_space<semaphore_mem>>) src(%arg11 : memref<64x144xf32, #tpu.memory_space<vmem>>) dst(%dma_wait3A_61 : memref<64x144xf32, #tpu.memory_space<vmem_shared>>)
      tpu.yield
    }) : () -> ()
    %mul3A_43 = arith.constant 640 : i32
    %mul3A_44 = arith.muli %arg1, %mul3A_43 : i32
    %add3A_45 = arith.constant 576 : i32
    %add3A_46 = arith.addi %mul3A_44, %add3A_45 : i32
    "tpu.region"() ({
      %run_scoped3A = tpu.sem_alloc : memref<!tpu.dma_semaphore, #tpu.memory_space<semaphore_mem>>
      %dma_start3A = arith.constant 0 : i32
      %dma_start3A_56 = tpu.memref_slice %arg12[%add3A_46, %dma_start3A] : memref<10240x144xf32, #tpu.memory_space<vmem_shared>> -> memref<64x144xf32, #tpu.memory_space<vmem_shared>>
      %dma_start3A_57 = arith.constant 0 : i32
      %dma_start3A_58 = tpu.memref_slice %arg12[%add3A_46, %dma_start3A_57] : memref<10240x144xf32, #tpu.memory_space<vmem_shared>> -> memref<64x144xf32, #tpu.memory_space<vmem_shared>>
      tpu.enqueue_dma source(%arg11 : memref<64x144xf32, #tpu.memory_space<vmem>>) target(%dma_start3A_58 : memref<64x144xf32, #tpu.memory_space<vmem_shared>>) target_semaphore(%run_scoped3A : memref<!tpu.dma_semaphore, #tpu.memory_space<semaphore_mem>>)
      %dma_wait3A = arith.constant 0 : i32
      %dma_wait3A_59 = tpu.memref_slice %arg12[%add3A_46, %dma_wait3A] : memref<10240x144xf32, #tpu.memory_space<vmem_shared>> -> memref<64x144xf32, #tpu.memory_space<vmem_shared>>
      %dma_wait3A_60 = arith.constant 0 : i32
      %dma_wait3A_61 = tpu.memref_slice %arg12[%add3A_46, %dma_wait3A_60] : memref<10240x144xf32, #tpu.memory_space<vmem_shared>> -> memref<64x144xf32, #tpu.memory_space<vmem_shared>>
      tpu.wait_dma2 semaphore(%run_scoped3A : memref<!tpu.dma_semaphore, #tpu.memory_space<semaphore_mem>>) src(%arg11 : memref<64x144xf32, #tpu.memory_space<vmem>>) dst(%dma_wait3A_61 : memref<64x144xf32, #tpu.memory_space<vmem_shared>>)
      tpu.yield
    }) : () -> ()
    %barrier3A = arith.constant 0 : index
    tpu.barrier barrier_id(%barrier3A)
    %iota3A = tpu.iota {dimensions = array<i32: 0>} : vector<16xi32>
    %scan3A_47 = arith.constant 0 : i32
    %scan3A_48 = arith.constant 0 : i32
    %scan3A_49 = arith.constant 80 : i32
    %scan3A_50 = arith.addi %scan3A_48, %scan3A_49 : i32
    %scan3A_51 = arith.constant 1 : i32
    scf.for %scan3A_56 = %scan3A_48 to %scan3A_50 step %scan3A_51  : i32 {
      %mul3A_57 = arith.constant 5120 : i32
      %mul3A_58 = arith.muli %add3A, %mul3A_57 : i32
      %mul3A_59 = arith.constant 64 : i32
      %mul3A_60 = arith.muli %scan3A_56, %mul3A_59 : i32
      %add3A_61 = arith.addi %mul3A_58, %mul3A_60 : i32
      "tpu.region"() ({
        %run_scoped3A = tpu.sem_alloc : memref<!tpu.dma_semaphore, #tpu.memory_space<semaphore_mem>>
        %dma_start3A_78 = tpu.memref_slice %arg4[%add3A_61] : memref<163840xi32, #tpu.memory_space<hbm>> -> memref<64xi32, #tpu.memory_space<hbm>>
        %dma_start3A_79 = tpu.memref_slice %arg4[%add3A_61] : memref<163840xi32, #tpu.memory_space<hbm>> -> memref<64xi32, #tpu.memory_space<hbm>>
        tpu.enqueue_dma source(%dma_start3A_79 : memref<64xi32, #tpu.memory_space<hbm>>) target(%arg7 : memref<64xi32, #tpu.memory_space<vmem>>) target_semaphore(%run_scoped3A : memref<!tpu.dma_semaphore, #tpu.memory_space<semaphore_mem>>)
        %dma_wait3A_80 = tpu.memref_slice %arg4[%add3A_61] : memref<163840xi32, #tpu.memory_space<hbm>> -> memref<64xi32, #tpu.memory_space<hbm>>
        %dma_wait3A_81 = tpu.memref_slice %arg4[%add3A_61] : memref<163840xi32, #tpu.memory_space<hbm>> -> memref<64xi32, #tpu.memory_space<hbm>>
        tpu.wait_dma2 semaphore(%run_scoped3A : memref<!tpu.dma_semaphore, #tpu.memory_space<semaphore_mem>>) src(%dma_wait3A_81 : memref<64xi32, #tpu.memory_space<hbm>>) dst(%arg7 : memref<64xi32, #tpu.memory_space<vmem>>)
        tpu.yield
      }) : () -> ()
      "tpu.region"() ({
        %run_scoped3A = tpu.sem_alloc : memref<!tpu.dma_semaphore, #tpu.memory_space<semaphore_mem>>
        %dma_start3A_78 = tpu.memref_slice %arg5[%add3A_61] : memref<163840xi32, #tpu.memory_space<hbm>> -> memref<64xi32, #tpu.memory_space<hbm>>
        %dma_start3A_79 = tpu.memref_slice %arg5[%add3A_61] : memref<163840xi32, #tpu.memory_space<hbm>> -> memref<64xi32, #tpu.memory_space<hbm>>
        tpu.enqueue_dma source(%dma_start3A_79 : memref<64xi32, #tpu.memory_space<hbm>>) target(%arg8 : memref<64xi32, #tpu.memory_space<vmem>>) target_semaphore(%run_scoped3A : memref<!tpu.dma_semaphore, #tpu.memory_space<semaphore_mem>>)
        %dma_wait3A_80 = tpu.memref_slice %arg5[%add3A_61] : memref<163840xi32, #tpu.memory_space<hbm>> -> memref<64xi32, #tpu.memory_space<hbm>>
        %dma_wait3A_81 = tpu.memref_slice %arg5[%add3A_61] : memref<163840xi32, #tpu.memory_space<hbm>> -> memref<64xi32, #tpu.memory_space<hbm>>
        tpu.wait_dma2 semaphore(%run_scoped3A : memref<!tpu.dma_semaphore, #tpu.memory_space<semaphore_mem>>) src(%dma_wait3A_81 : memref<64xi32, #tpu.memory_space<hbm>>) dst(%arg8 : memref<64xi32, #tpu.memory_space<vmem>>)
        tpu.yield
      }) : () -> ()
      %dma_start3A = arith.constant 0 : i32
      %dma_start3A_62 = arith.constant 0 : i32
      %dma_start3A_63 = tpu.memref_slice %arg2[%dma_start3A, %dma_start3A_62] : memref<10240x256xf32, #tpu.memory_space<hbm>> -> memref<10240x256xf32, #tpu.memory_space<hbm>>
      tpu.enqueue_indirect_dma source(%dma_start3A_63 : memref<10240x256xf32, #tpu.memory_space<hbm>>) target(%arg9 : memref<64x256xf32, #tpu.memory_space<vmem>>) offsets(%arg7 : memref<64xi32, #tpu.memory_space<vmem>>) semaphore(%arg13 : memref<!tpu.dma_semaphore, #tpu.memory_space<semaphore_mem>>)
      %dma_start3A_64 = arith.constant 0 : i32
      %dma_start3A_65 = arith.constant 0 : i32
      %dma_start3A_66 = tpu.memref_slice %arg3[%dma_start3A_64, %dma_start3A_65] : memref<10240x128xf32, #tpu.memory_space<hbm>> -> memref<10240x128xf32, #tpu.memory_space<hbm>>
      tpu.enqueue_indirect_dma source(%dma_start3A_66 : memref<10240x128xf32, #tpu.memory_space<hbm>>) target(%arg10 : memref<64x128xf32, #tpu.memory_space<vmem>>) offsets(%arg8 : memref<64xi32, #tpu.memory_space<vmem>>) semaphore(%arg14 : memref<!tpu.dma_semaphore, #tpu.memory_space<semaphore_mem>>)
      %dma_wait3A = arith.constant 0 : i32
      %dma_wait3A_67 = arith.constant 0 : i32
      %dma_wait3A_68 = tpu.memref_slice %arg2[%dma_wait3A, %dma_wait3A_67] : memref<10240x256xf32, #tpu.memory_space<hbm>> -> memref<10240x256xf32, #tpu.memory_space<hbm>>
      tpu.wait_indirect_dma semaphore(%arg13 : memref<!tpu.dma_semaphore, #tpu.memory_space<semaphore_mem>>) src(%dma_wait3A_68 : memref<10240x256xf32, #tpu.memory_space<hbm>>) dst(%arg9 : memref<64x256xf32, #tpu.memory_space<vmem>>)
      %dma_wait3A_69 = arith.constant 0 : i32
      %dma_wait3A_70 = arith.constant 0 : i32
      %dma_wait3A_71 = tpu.memref_slice %arg3[%dma_wait3A_69, %dma_wait3A_70] : memref<10240x128xf32, #tpu.memory_space<hbm>> -> memref<10240x128xf32, #tpu.memory_space<hbm>>
      tpu.wait_indirect_dma semaphore(%arg14 : memref<!tpu.dma_semaphore, #tpu.memory_space<semaphore_mem>>) src(%dma_wait3A_71 : memref<10240x128xf32, #tpu.memory_space<hbm>>) dst(%arg10 : memref<64x128xf32, #tpu.memory_space<vmem>>)
      %scan3A_72 = arith.constant 0 : i32
      %scan3A_73 = arith.constant 0 : i32
      %scan3A_74 = arith.constant 64 : i32
      %scan3A_75 = arith.addi %scan3A_73, %scan3A_74 : i32
      %scan3A_76 = arith.constant 1 : i32
      scf.for %scan3A_78 = %scan3A_73 to %scan3A_75 step %scan3A_76  : i32 {
        %broadcast_in_dim3A_79 = arith.constant 0.000000e+00 : f32
        %broadcast_in_dim3A_80 = vector.broadcast %broadcast_in_dim3A_79 : f32 to vector<16xf32>
        %get3A = arith.index_cast %scan3A_78 : i32 to index
        %get3A_81 = arith.constant 0 : index
        %get3A_82 = tpu.vector_load %arg9[%get3A, %get3A_81] {strides = array<i32>} : memref<64x256xf32, #tpu.memory_space<vmem>>, vector<16xf32>,
        %get3A_83 = arith.index_cast %scan3A_78 : i32 to index
        %get3A_84 = arith.constant 0 : index
        %get3A_85 = tpu.vector_load %arg10[%get3A_83, %get3A_84] {strides = array<i32>} : memref<64x128xf32, #tpu.memory_space<vmem>>, vector<16xf32>,
        %mul3A_86 = arith.mulf %get3A_82, %get3A_85 : vector<16xf32>
        %reduce_sum3A = arith.constant true
        %reduce_sum3A_87 = vector.broadcast %reduce_sum3A : i1 to vector<16xi1>
        %reduce_sum3A_88 = tpu.scan <sum>, %mul3A_86 masked %reduce_sum3A_87 : vector<16xf32>, vector<16xi1> -> vector<16xf32>
        %reduce_sum3A_89 = vector.extract %reduce_sum3A_88[15] : f32 from vector<16xf32>
        %broadcast_in_dim3A_90 = vector.broadcast %reduce_sum3A_89 : f32 to vector<16xf32>
        %exp3A = math.exp %broadcast_in_dim3A_90 : vector<16xf32>
        %get3A_91 = arith.index_cast %scan3A_78 : i32 to index
        %get3A_92 = arith.constant 128 : index
        %get3A_93 = tpu.vector_load %arg9[%get3A_91, %get3A_92] {strides = array<i32>} : memref<64x256xf32, #tpu.memory_space<vmem>>, vector<16xf32>,
        %mul3A_94 = arith.mulf %get3A_93, %exp3A : vector<16xf32>
        %swap3A = arith.index_cast %scan3A_78 : i32 to index
        %swap3A_95 = arith.constant 0 : index
        %swap3A_96 = tpu.vector_load %arg11[%swap3A, %swap3A_95] {strides = array<i32>} : memref<64x144xf32, #tpu.memory_space<vmem>>, vector<16xf32>,
        tpu.vector_store %arg11[%swap3A, %swap3A_95], %mul3A_94 {strides = array<i32>} : memref<64x144xf32, #tpu.memory_space<vmem>>, vector<16xf32>,
        %eq3A = arith.constant 0 : i32
        %eq3A_97 = vector.broadcast %eq3A : i32 to vector<16xi32>
        %eq3A_98 = arith.cmpi eq, %iota3A, %eq3A_97 : vector<16xi32>
        %jit3A = arith.constant 0.000000e+00 : f32
        %broadcast_in_dim3A_99 = vector.broadcast %jit3A : f32 to vector<16xf32>
        %select_n3A = arith.select %eq3A_98, %exp3A, %broadcast_in_dim3A_99 : vector<16xi1>, vector<16xf32>
        %add3A_100 = arith.addf %broadcast_in_dim3A_80, %select_n3A : vector<16xf32>
        %get3A_101 = arith.index_cast %scan3A_78 : i32 to index
        %get3A_102 = arith.constant 16 : index
        %get3A_103 = tpu.vector_load %arg9[%get3A_101, %get3A_102] {strides = array<i32>} : memref<64x256xf32, #tpu.memory_space<vmem>>, vector<16xf32>,
        %get3A_104 = arith.index_cast %scan3A_78 : i32 to index
        %get3A_105 = arith.constant 16 : index
        %get3A_106 = tpu.vector_load %arg10[%get3A_104, %get3A_105] {strides = array<i32>} : memref<64x128xf32, #tpu.memory_space<vmem>>, vector<16xf32>,
        %mul3A_107 = arith.mulf %get3A_103, %get3A_106 : vector<16xf32>
        %reduce_sum3A_108 = arith.constant true
        %reduce_sum3A_109 = vector.broadcast %reduce_sum3A_108 : i1 to vector<16xi1>
        %reduce_sum3A_110 = tpu.scan <sum>, %mul3A_107 masked %reduce_sum3A_109 : vector<16xf32>, vector<16xi1> -> vector<16xf32>
        %reduce_sum3A_111 = vector.extract %reduce_sum3A_110[15] : f32 from vector<16xf32>
        %broadcast_in_dim3A_112 = vector.broadcast %reduce_sum3A_111 : f32 to vector<16xf32>
        %exp3A_113 = math.exp %broadcast_in_dim3A_112 : vector<16xf32>
        %get3A_114 = arith.index_cast %scan3A_78 : i32 to index
        %get3A_115 = arith.constant 144 : index
        %get3A_116 = tpu.vector_load %arg9[%get3A_114, %get3A_115] {strides = array<i32>} : memref<64x256xf32, #tpu.memory_space<vmem>>, vector<16xf32>,
        %mul3A_117 = arith.mulf %get3A_116, %exp3A_113 : vector<16xf32>
        %swap3A_118 = arith.index_cast %scan3A_78 : i32 to index
        %swap3A_119 = arith.constant 16 : index
        %swap3A_120 = tpu.vector_load %arg11[%swap3A_118, %swap3A_119] {strides = array<i32>} : memref<64x144xf32, #tpu.memory_space<vmem>>, vector<16xf32>,
        tpu.vector_store %arg11[%swap3A_118, %swap3A_119], %mul3A_117 {strides = array<i32>} : memref<64x144xf32, #tpu.memory_space<vmem>>, vector<16xf32>,
        %eq3A_121 = arith.constant 1 : i32
        %eq3A_122 = vector.broadcast %eq3A_121 : i32 to vector<16xi32>
        %eq3A_123 = arith.cmpi eq, %iota3A, %eq3A_122 : vector<16xi32>
        %jit3A_124 = arith.constant 0.000000e+00 : f32
        %broadcast_in_dim3A_125 = vector.broadcast %jit3A_124 : f32 to vector<16xf32>
        %select_n3A_126 = arith.select %eq3A_123, %exp3A_113, %broadcast_in_dim3A_125 : vector<16xi1>, vector<16xf32>
        %add3A_127 = arith.addf %add3A_100, %select_n3A_126 : vector<16xf32>
        %get3A_128 = arith.index_cast %scan3A_78 : i32 to index
        %get3A_129 = arith.constant 32 : index
        %get3A_130 = tpu.vector_load %arg9[%get3A_128, %get3A_129] {strides = array<i32>} : memref<64x256xf32, #tpu.memory_space<vmem>>, vector<16xf32>,
        %get3A_131 = arith.index_cast %scan3A_78 : i32 to index
        %get3A_132 = arith.constant 32 : index
        %get3A_133 = tpu.vector_load %arg10[%get3A_131, %get3A_132] {strides = array<i32>} : memref<64x128xf32, #tpu.memory_space<vmem>>, vector<16xf32>,
        %mul3A_134 = arith.mulf %get3A_130, %get3A_133 : vector<16xf32>
        %reduce_sum3A_135 = arith.constant true
        %reduce_sum3A_136 = vector.broadcast %reduce_sum3A_135 : i1 to vector<16xi1>
        %reduce_sum3A_137 = tpu.scan <sum>, %mul3A_134 masked %reduce_sum3A_136 : vector<16xf32>, vector<16xi1> -> vector<16xf32>
        %reduce_sum3A_138 = vector.extract %reduce_sum3A_137[15] : f32 from vector<16xf32>
        %broadcast_in_dim3A_139 = vector.broadcast %reduce_sum3A_138 : f32 to vector<16xf32>
        %exp3A_140 = math.exp %broadcast_in_dim3A_139 : vector<16xf32>
        %get3A_141 = arith.index_cast %scan3A_78 : i32 to index
        %get3A_142 = arith.constant 160 : index
        %get3A_143 = tpu.vector_load %arg9[%get3A_141, %get3A_142] {strides = array<i32>} : memref<64x256xf32, #tpu.memory_space<vmem>>, vector<16xf32>,
        %mul3A_144 = arith.mulf %get3A_143, %exp3A_140 : vector<16xf32>
        %swap3A_145 = arith.index_cast %scan3A_78 : i32 to index
        %swap3A_146 = arith.constant 32 : index
        %swap3A_147 = tpu.vector_load %arg11[%swap3A_145, %swap3A_146] {strides = array<i32>} : memref<64x144xf32, #tpu.memory_space<vmem>>, vector<16xf32>,
        tpu.vector_store %arg11[%swap3A_145, %swap3A_146], %mul3A_144 {strides = array<i32>} : memref<64x144xf32, #tpu.memory_space<vmem>>, vector<16xf32>,
        %eq3A_148 = arith.constant 2 : i32
        %eq3A_149 = vector.broadcast %eq3A_148 : i32 to vector<16xi32>
        %eq3A_150 = arith.cmpi eq, %iota3A, %eq3A_149 : vector<16xi32>
        %jit3A_151 = arith.constant 0.000000e+00 : f32
        %broadcast_in_dim3A_152 = vector.broadcast %jit3A_151 : f32 to vector<16xf32>
        %select_n3A_153 = arith.select %eq3A_150, %exp3A_140, %broadcast_in_dim3A_152 : vector<16xi1>, vector<16xf32>
        %add3A_154 = arith.addf %add3A_127, %select_n3A_153 : vector<16xf32>
        %get3A_155 = arith.index_cast %scan3A_78 : i32 to index
        %get3A_156 = arith.constant 48 : index
        %get3A_157 = tpu.vector_load %arg9[%get3A_155, %get3A_156] {strides = array<i32>} : memref<64x256xf32, #tpu.memory_space<vmem>>, vector<16xf32>,
        %get3A_158 = arith.index_cast %scan3A_78 : i32 to index
        %get3A_159 = arith.constant 48 : index
        %get3A_160 = tpu.vector_load %arg10[%get3A_158, %get3A_159] {strides = array<i32>} : memref<64x128xf32, #tpu.memory_space<vmem>>, vector<16xf32>,
        %mul3A_161 = arith.mulf %get3A_157, %get3A_160 : vector<16xf32>
        %reduce_sum3A_162 = arith.constant true
        %reduce_sum3A_163 = vector.broadcast %reduce_sum3A_162 : i1 to vector<16xi1>
        %reduce_sum3A_164 = tpu.scan <sum>, %mul3A_161 masked %reduce_sum3A_163 : vector<16xf32>, vector<16xi1> -> vector<16xf32>
        %reduce_sum3A_165 = vector.extract %reduce_sum3A_164[15] : f32 from vector<16xf32>
        %broadcast_in_dim3A_166 = vector.broadcast %reduce_sum3A_165 : f32 to vector<16xf32>
        %exp3A_167 = math.exp %broadcast_in_dim3A_166 : vector<16xf32>
        %get3A_168 = arith.index_cast %scan3A_78 : i32 to index
        %get3A_169 = arith.constant 176 : index
        %get3A_170 = tpu.vector_load %arg9[%get3A_168, %get3A_169] {strides = array<i32>} : memref<64x256xf32, #tpu.memory_space<vmem>>, vector<16xf32>,
        %mul3A_171 = arith.mulf %get3A_170, %exp3A_167 : vector<16xf32>
        %swap3A_172 = arith.index_cast %scan3A_78 : i32 to index
        %swap3A_173 = arith.constant 48 : index
        %swap3A_174 = tpu.vector_load %arg11[%swap3A_172, %swap3A_173] {strides = array<i32>} : memref<64x144xf32, #tpu.memory_space<vmem>>, vector<16xf32>,
        tpu.vector_store %arg11[%swap3A_172, %swap3A_173], %mul3A_171 {strides = array<i32>} : memref<64x144xf32, #tpu.memory_space<vmem>>, vector<16xf32>,
        %eq3A_175 = arith.constant 3 : i32
        %eq3A_176 = vector.broadcast %eq3A_175 : i32 to vector<16xi32>
        %eq3A_177 = arith.cmpi eq, %iota3A, %eq3A_176 : vector<16xi32>
        %jit3A_178 = arith.constant 0.000000e+00 : f32
        %broadcast_in_dim3A_179 = vector.broadcast %jit3A_178 : f32 to vector<16xf32>
        %select_n3A_180 = arith.select %eq3A_177, %exp3A_167, %broadcast_in_dim3A_179 : vector<16xi1>, vector<16xf32>
        %add3A_181 = arith.addf %add3A_154, %select_n3A_180 : vector<16xf32>
        %get3A_182 = arith.index_cast %scan3A_78 : i32 to index
        %get3A_183 = arith.constant 64 : index
        %get3A_184 = tpu.vector_load %arg9[%get3A_182, %get3A_183] {strides = array<i32>} : memref<64x256xf32, #tpu.memory_space<vmem>>, vector<16xf32>,
        %get3A_185 = arith.index_cast %scan3A_78 : i32 to index
        %get3A_186 = arith.constant 64 : index
        %get3A_187 = tpu.vector_load %arg10[%get3A_185, %get3A_186] {strides = array<i32>} : memref<64x128xf32, #tpu.memory_space<vmem>>, vector<16xf32>,
        %mul3A_188 = arith.mulf %get3A_184, %get3A_187 : vector<16xf32>
        %reduce_sum3A_189 = arith.constant true
        %reduce_sum3A_190 = vector.broadcast %reduce_sum3A_189 : i1 to vector<16xi1>
        %reduce_sum3A_191 = tpu.scan <sum>, %mul3A_188 masked %reduce_sum3A_190 : vector<16xf32>, vector<16xi1> -> vector<16xf32>
        %reduce_sum3A_192 = vector.extract %reduce_sum3A_191[15] : f32 from vector<16xf32>
        %broadcast_in_dim3A_193 = vector.broadcast %reduce_sum3A_192 : f32 to vector<16xf32>
        %exp3A_194 = math.exp %broadcast_in_dim3A_193 : vector<16xf32>
        %get3A_195 = arith.index_cast %scan3A_78 : i32 to index
        %get3A_196 = arith.constant 192 : index
        %get3A_197 = tpu.vector_load %arg9[%get3A_195, %get3A_196] {strides = array<i32>} : memref<64x256xf32, #tpu.memory_space<vmem>>, vector<16xf32>,
        %mul3A_198 = arith.mulf %get3A_197, %exp3A_194 : vector<16xf32>
        %swap3A_199 = arith.index_cast %scan3A_78 : i32 to index
        %swap3A_200 = arith.constant 64 : index
        %swap3A_201 = tpu.vector_load %arg11[%swap3A_199, %swap3A_200] {strides = array<i32>} : memref<64x144xf32, #tpu.memory_space<vmem>>, vector<16xf32>,
        tpu.vector_store %arg11[%swap3A_199, %swap3A_200], %mul3A_198 {strides = array<i32>} : memref<64x144xf32, #tpu.memory_space<vmem>>, vector<16xf32>,
        %eq3A_202 = arith.constant 4 : i32
        %eq3A_203 = vector.broadcast %eq3A_202 : i32 to vector<16xi32>
        %eq3A_204 = arith.cmpi eq, %iota3A, %eq3A_203 : vector<16xi32>
        %jit3A_205 = arith.constant 0.000000e+00 : f32
        %broadcast_in_dim3A_206 = vector.broadcast %jit3A_205 : f32 to vector<16xf32>
        %select_n3A_207 = arith.select %eq3A_204, %exp3A_194, %broadcast_in_dim3A_206 : vector<16xi1>, vector<16xf32>
        %add3A_208 = arith.addf %add3A_181, %select_n3A_207 : vector<16xf32>
        %get3A_209 = arith.index_cast %scan3A_78 : i32 to index
        %get3A_210 = arith.constant 80 : index
        %get3A_211 = tpu.vector_load %arg9[%get3A_209, %get3A_210] {strides = array<i32>} : memref<64x256xf32, #tpu.memory_space<vmem>>, vector<16xf32>,
        %get3A_212 = arith.index_cast %scan3A_78 : i32 to index
        %get3A_213 = arith.constant 80 : index
        %get3A_214 = tpu.vector_load %arg10[%get3A_212, %get3A_213] {strides = array<i32>} : memref<64x128xf32, #tpu.memory_space<vmem>>, vector<16xf32>,
        %mul3A_215 = arith.mulf %get3A_211, %get3A_214 : vector<16xf32>
        %reduce_sum3A_216 = arith.constant true
        %reduce_sum3A_217 = vector.broadcast %reduce_sum3A_216 : i1 to vector<16xi1>
        %reduce_sum3A_218 = tpu.scan <sum>, %mul3A_215 masked %reduce_sum3A_217 : vector<16xf32>, vector<16xi1> -> vector<16xf32>
        %reduce_sum3A_219 = vector.extract %reduce_sum3A_218[15] : f32 from vector<16xf32>
        %broadcast_in_dim3A_220 = vector.broadcast %reduce_sum3A_219 : f32 to vector<16xf32>
        %exp3A_221 = math.exp %broadcast_in_dim3A_220 : vector<16xf32>
        %get3A_222 = arith.index_cast %scan3A_78 : i32 to index
        %get3A_223 = arith.constant 208 : index
        %get3A_224 = tpu.vector_load %arg9[%get3A_222, %get3A_223] {strides = array<i32>} : memref<64x256xf32, #tpu.memory_space<vmem>>, vector<16xf32>,
        %mul3A_225 = arith.mulf %get3A_224, %exp3A_221 : vector<16xf32>
        %swap3A_226 = arith.index_cast %scan3A_78 : i32 to index
        %swap3A_227 = arith.constant 80 : index
        %swap3A_228 = tpu.vector_load %arg11[%swap3A_226, %swap3A_227] {strides = array<i32>} : memref<64x144xf32, #tpu.memory_space<vmem>>, vector<16xf32>,
        tpu.vector_store %arg11[%swap3A_226, %swap3A_227], %mul3A_225 {strides = array<i32>} : memref<64x144xf32, #tpu.memory_space<vmem>>, vector<16xf32>,
        %eq3A_229 = arith.constant 5 : i32
        %eq3A_230 = vector.broadcast %eq3A_229 : i32 to vector<16xi32>
        %eq3A_231 = arith.cmpi eq, %iota3A, %eq3A_230 : vector<16xi32>
        %jit3A_232 = arith.constant 0.000000e+00 : f32
        %broadcast_in_dim3A_233 = vector.broadcast %jit3A_232 : f32 to vector<16xf32>
        %select_n3A_234 = arith.select %eq3A_231, %exp3A_221, %broadcast_in_dim3A_233 : vector<16xi1>, vector<16xf32>
        %add3A_235 = arith.addf %add3A_208, %select_n3A_234 : vector<16xf32>
        %get3A_236 = arith.index_cast %scan3A_78 : i32 to index
        %get3A_237 = arith.constant 96 : index
        %get3A_238 = tpu.vector_load %arg9[%get3A_236, %get3A_237] {strides = array<i32>} : memref<64x256xf32, #tpu.memory_space<vmem>>, vector<16xf32>,
        %get3A_239 = arith.index_cast %scan3A_78 : i32 to index
        %get3A_240 = arith.constant 96 : index
        %get3A_241 = tpu.vector_load %arg10[%get3A_239, %get3A_240] {strides = array<i32>} : memref<64x128xf32, #tpu.memory_space<vmem>>, vector<16xf32>,
        %mul3A_242 = arith.mulf %get3A_238, %get3A_241 : vector<16xf32>
        %reduce_sum3A_243 = arith.constant true
        %reduce_sum3A_244 = vector.broadcast %reduce_sum3A_243 : i1 to vector<16xi1>
        %reduce_sum3A_245 = tpu.scan <sum>, %mul3A_242 masked %reduce_sum3A_244 : vector<16xf32>, vector<16xi1> -> vector<16xf32>
        %reduce_sum3A_246 = vector.extract %reduce_sum3A_245[15] : f32 from vector<16xf32>
        %broadcast_in_dim3A_247 = vector.broadcast %reduce_sum3A_246 : f32 to vector<16xf32>
        %exp3A_248 = math.exp %broadcast_in_dim3A_247 : vector<16xf32>
        %get3A_249 = arith.index_cast %scan3A_78 : i32 to index
        %get3A_250 = arith.constant 224 : index
        %get3A_251 = tpu.vector_load %arg9[%get3A_249, %get3A_250] {strides = array<i32>} : memref<64x256xf32, #tpu.memory_space<vmem>>, vector<16xf32>,
        %mul3A_252 = arith.mulf %get3A_251, %exp3A_248 : vector<16xf32>
        %swap3A_253 = arith.index_cast %scan3A_78 : i32 to index
        %swap3A_254 = arith.constant 96 : index
        %swap3A_255 = tpu.vector_load %arg11[%swap3A_253, %swap3A_254] {strides = array<i32>} : memref<64x144xf32, #tpu.memory_space<vmem>>, vector<16xf32>,
        tpu.vector_store %arg11[%swap3A_253, %swap3A_254], %mul3A_252 {strides = array<i32>} : memref<64x144xf32, #tpu.memory_space<vmem>>, vector<16xf32>,
        %eq3A_256 = arith.constant 6 : i32
        %eq3A_257 = vector.broadcast %eq3A_256 : i32 to vector<16xi32>
        %eq3A_258 = arith.cmpi eq, %iota3A, %eq3A_257 : vector<16xi32>
        %jit3A_259 = arith.constant 0.000000e+00 : f32
        %broadcast_in_dim3A_260 = vector.broadcast %jit3A_259 : f32 to vector<16xf32>
        %select_n3A_261 = arith.select %eq3A_258, %exp3A_248, %broadcast_in_dim3A_260 : vector<16xi1>, vector<16xf32>
        %add3A_262 = arith.addf %add3A_235, %select_n3A_261 : vector<16xf32>
        %get3A_263 = arith.index_cast %scan3A_78 : i32 to index
        %get3A_264 = arith.constant 112 : index
        %get3A_265 = tpu.vector_load %arg9[%get3A_263, %get3A_264] {strides = array<i32>} : memref<64x256xf32, #tpu.memory_space<vmem>>, vector<16xf32>,
        %get3A_266 = arith.index_cast %scan3A_78 : i32 to index
        %get3A_267 = arith.constant 112 : index
        %get3A_268 = tpu.vector_load %arg10[%get3A_266, %get3A_267] {strides = array<i32>} : memref<64x128xf32, #tpu.memory_space<vmem>>, vector<16xf32>,
        %mul3A_269 = arith.mulf %get3A_265, %get3A_268 : vector<16xf32>
        %reduce_sum3A_270 = arith.constant true
        %reduce_sum3A_271 = vector.broadcast %reduce_sum3A_270 : i1 to vector<16xi1>
        %reduce_sum3A_272 = tpu.scan <sum>, %mul3A_269 masked %reduce_sum3A_271 : vector<16xf32>, vector<16xi1> -> vector<16xf32>
        %reduce_sum3A_273 = vector.extract %reduce_sum3A_272[15] : f32 from vector<16xf32>
        %broadcast_in_dim3A_274 = vector.broadcast %reduce_sum3A_273 : f32 to vector<16xf32>
        %exp3A_275 = math.exp %broadcast_in_dim3A_274 : vector<16xf32>
        %get3A_276 = arith.index_cast %scan3A_78 : i32 to index
        %get3A_277 = arith.constant 240 : index
        %get3A_278 = tpu.vector_load %arg9[%get3A_276, %get3A_277] {strides = array<i32>} : memref<64x256xf32, #tpu.memory_space<vmem>>, vector<16xf32>,
        %mul3A_279 = arith.mulf %get3A_278, %exp3A_275 : vector<16xf32>
        %swap3A_280 = arith.index_cast %scan3A_78 : i32 to index
        %swap3A_281 = arith.constant 112 : index
        %swap3A_282 = tpu.vector_load %arg11[%swap3A_280, %swap3A_281] {strides = array<i32>} : memref<64x144xf32, #tpu.memory_space<vmem>>, vector<16xf32>,
        tpu.vector_store %arg11[%swap3A_280, %swap3A_281], %mul3A_279 {strides = array<i32>} : memref<64x144xf32, #tpu.memory_space<vmem>>, vector<16xf32>,
        %eq3A_283 = arith.constant 7 : i32
        %eq3A_284 = vector.broadcast %eq3A_283 : i32 to vector<16xi32>
        %eq3A_285 = arith.cmpi eq, %iota3A, %eq3A_284 : vector<16xi32>
        %jit3A_286 = arith.constant 0.000000e+00 : f32
        %broadcast_in_dim3A_287 = vector.broadcast %jit3A_286 : f32 to vector<16xf32>
        %select_n3A_288 = arith.select %eq3A_285, %exp3A_275, %broadcast_in_dim3A_287 : vector<16xi1>, vector<16xf32>
        %add3A_289 = arith.addf %add3A_262, %select_n3A_288 : vector<16xf32>
        %swap3A_290 = arith.index_cast %scan3A_78 : i32 to index
        %swap3A_291 = arith.constant 128 : index
        %swap3A_292 = tpu.vector_load %arg11[%swap3A_290, %swap3A_291] {strides = array<i32>} : memref<64x144xf32, #tpu.memory_space<vmem>>, vector<16xf32>,
        tpu.vector_store %arg11[%swap3A_290, %swap3A_291], %add3A_289 {strides = array<i32>} : memref<64x144xf32, #tpu.memory_space<vmem>>, vector<16xf32>,
      }
      %scan3A_77 = arith.constant 64 : i32
      "tpu.region"() ({
        %run_scoped3A = tpu.sem_alloc : memref<!tpu.dma_semaphore, #tpu.memory_space<semaphore_mem>>
        %dma_start3A_78 = arith.constant 0 : i32
        %dma_start3A_79 = arith.constant 0 : i32
        %dma_start3A_80 = tpu.memref_slice %arg12[%dma_start3A_78, %dma_start3A_79] : memref<10240x144xf32, #tpu.memory_space<vmem_shared>> -> memref<10240x144xf32, #tpu.memory_space<vmem_shared>>
        tpu.enqueue_indirect_dma source(%arg11 : memref<64x144xf32, #tpu.memory_space<vmem>>) target(%dma_start3A_80 : memref<10240x144xf32, #tpu.memory_space<vmem_shared>>) offsets(%arg8 : memref<64xi32, #tpu.memory_space<vmem>>) semaphore(%run_scoped3A : memref<!tpu.dma_semaphore, #tpu.memory_space<semaphore_mem>>) {add = true}
        %dma_wait3A_81 = arith.constant 0 : i32
        %dma_wait3A_82 = arith.constant 0 : i32
        %dma_wait3A_83 = tpu.memref_slice %arg12[%dma_wait3A_81, %dma_wait3A_82] : memref<10240x144xf32, #tpu.memory_space<vmem_shared>> -> memref<10240x144xf32, #tpu.memory_space<vmem_shared>>
        tpu.wait_indirect_dma semaphore(%run_scoped3A : memref<!tpu.dma_semaphore, #tpu.memory_space<semaphore_mem>>) src(%arg11 : memref<64x144xf32, #tpu.memory_space<vmem>>) dst(%dma_wait3A_83 : memref<10240x144xf32, #tpu.memory_space<vmem_shared>>)
        tpu.yield
      }) : () -> ()
    }
    %scan3A_52 = arith.constant 80 : i32
    %barrier3A_53 = arith.constant 0 : index
    tpu.barrier barrier_id(%barrier3A_53)
    %mul3A_54 = arith.constant 640 : i32
    %mul3A_55 = arith.muli %arg1, %mul3A_54 : i32
    "tpu.region"() ({
      %run_scoped3A = tpu.sem_alloc : memref<!tpu.dma_semaphore, #tpu.memory_space<semaphore_mem>>
      %dma_start3A = arith.constant 0 : i32
      %dma_start3A_56 = tpu.memref_slice %arg6[%arg0, %mul3A_55, %dma_start3A] : memref<2x10240x144xf32, #tpu.memory_space<hbm>> -> memref<1x640x144xf32, #tpu.memory_space<hbm>>
      %dma_start3A_57 = tpu.memref_squeeze %dma_start3A_56 : memref<1x640x144xf32, #tpu.memory_space<hbm>> -> memref<640x144xf32, #tpu.memory_space<hbm>>
      %dma_start3A_58 = arith.constant 0 : i32
      %dma_start3A_59 = tpu.memref_slice %arg12[%mul3A_55, %dma_start3A_58] : memref<10240x144xf32, #tpu.memory_space<vmem_shared>> -> memref<640x144xf32, #tpu.memory_space<vmem_shared>>
      tpu.enqueue_dma source(%dma_start3A_59 : memref<640x144xf32, #tpu.memory_space<vmem_shared>>) target(%dma_start3A_57 : memref<640x144xf32, #tpu.memory_space<hbm>>) target_semaphore(%run_scoped3A : memref<!tpu.dma_semaphore, #tpu.memory_space<semaphore_mem>>)
      %dma_wait3A = arith.constant 0 : i32
      %dma_wait3A_60 = tpu.memref_slice %arg6[%arg0, %mul3A_55, %dma_wait3A] : memref<2x10240x144xf32, #tpu.memory_space<hbm>> -> memref<1x640x144xf32, #tpu.memory_space<hbm>>
      %dma_wait3A_61 = tpu.memref_squeeze %dma_wait3A_60 : memref<1x640x144xf32, #tpu.memory_space<hbm>> -> memref<640x144xf32, #tpu.memory_space<hbm>>
      %dma_wait3A_62 = arith.constant 0 : i32
      %dma_wait3A_63 = tpu.memref_slice %arg12[%mul3A_55, %dma_wait3A_62] : memref<10240x144xf32, #tpu.memory_space<vmem_shared>> -> memref<640x144xf32, #tpu.memory_space<vmem_shared>>
      tpu.wait_dma2 semaphore(%run_scoped3A : memref<!tpu.dma_semaphore, #tpu.memory_space<semaphore_mem>>) src(%dma_wait3A_63 : memref<640x144xf32, #tpu.memory_space<vmem_shared>>) dst(%dma_wait3A_61 : memref<640x144xf32, #tpu.memory_space<hbm>>)
      tpu.yield
    }) : () -> ()
    return
  }
}

module attributes {stable_mosaic.version = 14 : i64} {
  func.func @_proj_body(%arg0: i32, %arg1: memref<512x128xf32, #tpu.memory_space<vmem>>, %arg2: memref<512x128xf32, #tpu.memory_space<vmem>>, %arg3: memref<128x256xf32, #tpu.memory_space<vmem>>, %arg4: memref<1x256xf32, #tpu.memory_space<vmem>>, %arg5: memref<128x128xf32, #tpu.memory_space<vmem>>, %arg6: memref<1x128xf32, #tpu.memory_space<vmem>>, %arg7: memref<512x256xf32, #tpu.memory_space<vmem>>, %arg8: memref<512x128xf32, #tpu.memory_space<vmem>>) attributes {dimension_semantics = [#tpu.dimension_semantics<arbitrary>], iteration_bounds = array<i64: 20>, scalar_prefetch = 0 : i64, scratch_operands = 0 : i64, tpu.core_type = #tpu.core_type<tc>, window_params = [{transform_indices = @transform_0, window_bounds = array<i64: 512, 128>}, {transform_indices = @transform_1, window_bounds = array<i64: 512, 128>}, {pipeline_mode = #tpu.pipeline_mode<synchronous>, transform_indices = @transform_2, window_bounds = array<i64: 128, 256>}, {pipeline_mode = #tpu.pipeline_mode<synchronous>, transform_indices = @transform_3, window_bounds = array<i64: 1, 256>}, {pipeline_mode = #tpu.pipeline_mode<synchronous>, transform_indices = @transform_4, window_bounds = array<i64: 128, 128>}, {pipeline_mode = #tpu.pipeline_mode<synchronous>, transform_indices = @transform_5, window_bounds = array<i64: 1, 128>}, {transform_indices = @transform_6, window_bounds = array<i64: 512, 256>}, {transform_indices = @transform_7, window_bounds = array<i64: 512, 128>}]} {
    %get3A = arith.constant 0 : index
    %get3A_0 = arith.constant 0 : index
    %get3A_1 = vector.load %arg1[%get3A, %get3A_0] : memref<512x128xf32, #tpu.memory_space<vmem>>, vector<512x128xf32>
    %get3A_2 = arith.constant 0 : index
    %get3A_3 = arith.constant 0 : index
    %get3A_4 = vector.load %arg2[%get3A_2, %get3A_3] : memref<512x128xf32, #tpu.memory_space<vmem>>, vector<512x128xf32>
    %get3A_5 = arith.constant 0 : index
    %get3A_6 = arith.constant 0 : index
    %get3A_7 = vector.load %arg3[%get3A_5, %get3A_6] : memref<128x256xf32, #tpu.memory_space<vmem>>, vector<128x256xf32>
    %dot_general3A = arith.constant dense<0.000000e+00> : vector<512x256xf32>
    %dot_general3A_8 = tpu.matmul %get3A_1, %get3A_7, %dot_general3A {dimension_numbers = #tpu.dot_dimension_numbers<[1], [0], [0], [1], [0, 0, 1, 1], [], []>, transpose_lhs_hint = false} : vector<512x128xf32>, vector<128x256xf32>, vector<512x256xf32> -> vector<512x256xf32>
    %get3A_9 = arith.constant 0 : index
    %get3A_10 = arith.constant 0 : index
    %get3A_11 = vector.load %arg4[%get3A_9, %get3A_10] : memref<1x256xf32, #tpu.memory_space<vmem>>, vector<1x256xf32>
    %add3A = vector.broadcast %get3A_11 : vector<1x256xf32> to vector<512x256xf32>
    %add3A_12 = arith.addf %dot_general3A_8, %add3A : vector<512x256xf32>
    %swap3A = arith.constant 0 : index
    %swap3A_13 = arith.constant 0 : index
    %swap3A_14 = vector.load %arg7[%swap3A, %swap3A_13] : memref<512x256xf32, #tpu.memory_space<vmem>>, vector<512x256xf32>
    tpu.vector_store %arg7[%swap3A, %swap3A_13], %add3A_12 {strides = array<i32>} : memref<512x256xf32, #tpu.memory_space<vmem>>, vector<512x256xf32>,
    %get3A_15 = arith.constant 0 : index
    %get3A_16 = arith.constant 0 : index
    %get3A_17 = vector.load %arg5[%get3A_15, %get3A_16] : memref<128x128xf32, #tpu.memory_space<vmem>>, vector<128x128xf32>
    %dot_general3A_18 = arith.constant dense<0.000000e+00> : vector<512x128xf32>
    %dot_general3A_19 = tpu.matmul %get3A_4, %get3A_17, %dot_general3A_18 {dimension_numbers = #tpu.dot_dimension_numbers<[1], [0], [0], [1], [0, 0, 1, 1], [], []>, transpose_lhs_hint = false} : vector<512x128xf32>, vector<128x128xf32>, vector<512x128xf32> -> vector<512x128xf32>
    %get3A_20 = arith.constant 0 : index
    %get3A_21 = arith.constant 0 : index
    %get3A_22 = vector.load %arg6[%get3A_20, %get3A_21] : memref<1x128xf32, #tpu.memory_space<vmem>>, vector<1x128xf32>
    %add3A_23 = vector.broadcast %get3A_22 : vector<1x128xf32> to vector<512x128xf32>
    %add3A_24 = arith.addf %dot_general3A_19, %add3A_23 : vector<512x128xf32>
    %swap3A_25 = arith.constant 0 : index
    %swap3A_26 = arith.constant 0 : index
    %swap3A_27 = vector.load %arg8[%swap3A_25, %swap3A_26] : memref<512x128xf32, #tpu.memory_space<vmem>>, vector<512x128xf32>
    tpu.vector_store %arg8[%swap3A_25, %swap3A_26], %add3A_24 {strides = array<i32>} : memref<512x128xf32, #tpu.memory_space<vmem>>, vector<512x128xf32>,
    return
  }
  func.func @transform_0(%arg0: i32) -> (i32, i32) {
    %c0_i32 = arith.constant 0 : i32
    %c0_i32_0 = arith.constant 0 : i32
    return %arg0, %c0_i32 : i32, i32
  }
  func.func @transform_1(%arg0: i32) -> (i32, i32) {
    %c0_i32 = arith.constant 0 : i32
    %c0_i32_0 = arith.constant 0 : i32
    return %arg0, %c0_i32 : i32, i32
  }
  func.func @transform_2(%arg0: i32) -> (i32, i32) {
    %c0_i32 = arith.constant 0 : i32
    %c0_i32_0 = arith.constant 0 : i32
    %c0_i32_1 = arith.constant 0 : i32
    return %c0_i32, %c0_i32_0 : i32, i32
  }
  func.func @transform_3(%arg0: i32) -> (i32, i32) {
    %c0_i32 = arith.constant 0 : i32
    %c0_i32_0 = arith.constant 0 : i32
    %c0_i32_1 = arith.constant 0 : i32
    return %c0_i32, %c0_i32_0 : i32, i32
  }
  func.func @transform_4(%arg0: i32) -> (i32, i32) {
    %c0_i32 = arith.constant 0 : i32
    %c0_i32_0 = arith.constant 0 : i32
    %c0_i32_1 = arith.constant 0 : i32
    return %c0_i32, %c0_i32_0 : i32, i32
  }
  func.func @transform_5(%arg0: i32) -> (i32, i32) {
    %c0_i32 = arith.constant 0 : i32
    %c0_i32_0 = arith.constant 0 : i32
    %c0_i32_1 = arith.constant 0 : i32
    return %c0_i32, %c0_i32_0 : i32, i32
  }
  func.func @transform_6(%arg0: i32) -> (i32, i32) {
    %c0_i32 = arith.constant 0 : i32
    %c0_i32_0 = arith.constant 0 : i32
    return %arg0, %c0_i32 : i32, i32
  }
  func.func @transform_7(%arg0: i32) -> (i32, i32) {
    %c0_i32 = arith.constant 0 : i32
    %c0_i32_0 = arith.constant 0 : i32
    return %arg0, %c0_i32 : i32, i32
  }
}

module attributes {stable_mosaic.version = 14 : i64} {
  func.func @_combine_body(%arg0: i32, %arg1: memref<2x512x144xf32, #tpu.memory_space<vmem>>, %arg2: memref<8x128xf32, #tpu.memory_space<vmem>>, %arg3: memref<128x128xf32, #tpu.memory_space<vmem>>, %arg4: memref<1x128xf32, #tpu.memory_space<vmem>>, %arg5: memref<512x128xf32, #tpu.memory_space<vmem>>, %arg6: memref<1x1xf32, #tpu.memory_space<vmem>>, %arg7: memref<512x128xf32, #tpu.memory_space<vmem>>) attributes {dimension_semantics = [#tpu.dimension_semantics<arbitrary>], iteration_bounds = array<i64: 20>, scalar_prefetch = 0 : i64, scratch_operands = 0 : i64, tpu.core_type = #tpu.core_type<tc>, window_params = [{transform_indices = @transform_0, window_bounds = array<i64: 2, 512, 144>}, {pipeline_mode = #tpu.pipeline_mode<synchronous>, transform_indices = @transform_1, window_bounds = array<i64: 8, 128>}, {pipeline_mode = #tpu.pipeline_mode<synchronous>, transform_indices = @transform_2, window_bounds = array<i64: 128, 128>}, {pipeline_mode = #tpu.pipeline_mode<synchronous>, transform_indices = @transform_3, window_bounds = array<i64: 1, 128>}, {transform_indices = @transform_4, window_bounds = array<i64: 512, 128>}, {pipeline_mode = #tpu.pipeline_mode<synchronous>, transform_indices = @transform_5, window_bounds = array<i64: 1, 1>}, {transform_indices = @transform_6, window_bounds = array<i64: 512, 128>}]} {
    %get3A = arith.constant 0 : index
    %get3A_0 = arith.constant 0 : index
    %get3A_1 = arith.constant 0 : index
    %get3A_2 = vector.load %arg1[%get3A, %get3A_0, %get3A_1] : memref<2x512x144xf32, #tpu.memory_space<vmem>>, vector<1x512x144xf32>
    %get3A_3 = vector.shape_cast %get3A_2 : vector<1x512x144xf32> to vector<512x144xf32>
    %get3A_4 = arith.constant 1 : index
    %get3A_5 = arith.constant 0 : index
    %get3A_6 = arith.constant 0 : index
    %get3A_7 = vector.load %arg1[%get3A_4, %get3A_5, %get3A_6] : memref<2x512x144xf32, #tpu.memory_space<vmem>>, vector<1x512x144xf32>
    %get3A_8 = vector.shape_cast %get3A_7 : vector<1x512x144xf32> to vector<512x144xf32>
    %add3A = arith.addf %get3A_3, %get3A_8 : vector<512x144xf32>
    %slice3A = vector.extract_strided_slice %add3A {offsets = [0, 0], sizes = [512, 128], strides = [1, 1]} : vector<512x144xf32> to vector<512x128xf32>
    %slice3A_9 = vector.extract_strided_slice %add3A {offsets = [0, 128], sizes = [512, 8], strides = [1, 1]} : vector<512x144xf32> to vector<512x8xf32>
    %gt3A = arith.constant 0.000000e+00 : f32
    %gt3A_10 = vector.broadcast %gt3A : f32 to vector<512x8xf32>
    %gt3A_11 = arith.cmpf ogt, %slice3A_9, %gt3A_10 : vector<512x8xf32>
    %jit3A = arith.constant 1.000000e+00 : f32
    %broadcast_in_dim3A = vector.broadcast %jit3A : f32 to vector<512x8xf32>
    %select_n3A = arith.select %gt3A_11, %slice3A_9, %broadcast_in_dim3A : vector<512x8xi1>, vector<512x8xf32>
    %div3A = arith.constant 1.000000e+00 : f32
    %div3A_12 = vector.broadcast %div3A : f32 to vector<512x8xf32>
    %div3A_13 = arith.divf %div3A_12, %select_n3A : vector<512x8xf32>
    %get3A_14 = arith.constant 0 : index
    %get3A_15 = arith.constant 0 : index
    %get3A_16 = vector.load %arg2[%get3A_14, %get3A_15] : memref<8x128xf32, #tpu.memory_space<vmem>>, vector<8x128xf32>
    %dot_general3A = arith.constant dense<0.000000e+00> : vector<512x128xf32>
    %dot_general3A_17 = tpu.matmul %div3A_13, %get3A_16, %dot_general3A {dimension_numbers = #tpu.dot_dimension_numbers<[1], [0], [0], [1], [0, 0, 1, 1], [], []>, transpose_lhs_hint = false} : vector<512x8xf32>, vector<8x128xf32>, vector<512x128xf32> -> vector<512x128xf32>
    %mul3A = arith.mulf %slice3A, %dot_general3A_17 : vector<512x128xf32>
    %get3A_18 = arith.constant 0 : index
    %get3A_19 = arith.constant 0 : index
    %get3A_20 = vector.load %arg3[%get3A_18, %get3A_19] : memref<128x128xf32, #tpu.memory_space<vmem>>, vector<128x128xf32>
    %dot_general3A_21 = arith.constant dense<0.000000e+00> : vector<512x128xf32>
    %dot_general3A_22 = tpu.matmul %mul3A, %get3A_20, %dot_general3A_21 {dimension_numbers = #tpu.dot_dimension_numbers<[1], [0], [0], [1], [0, 0, 1, 1], [], []>, transpose_lhs_hint = false} : vector<512x128xf32>, vector<128x128xf32>, vector<512x128xf32> -> vector<512x128xf32>
    %get3A_23 = arith.constant 0 : index
    %get3A_24 = arith.constant 0 : index
    %get3A_25 = vector.load %arg4[%get3A_23, %get3A_24] : memref<1x128xf32, #tpu.memory_space<vmem>>, vector<1x128xf32>
    %add3A_26 = vector.broadcast %get3A_25 : vector<1x128xf32> to vector<512x128xf32>
    %add3A_27 = arith.addf %dot_general3A_22, %add3A_26 : vector<512x128xf32>
    %get3A_28 = arith.constant 0 : index
    %get3A_29 = arith.constant 0 : index
    %get3A_30 = vector.load %arg5[%get3A_28, %get3A_29] : memref<512x128xf32, #tpu.memory_space<vmem>>, vector<512x128xf32>
    %get3A_31 = arith.constant 0 : index
    %get3A_32 = arith.constant 0 : index
    %get3A_33 = vector.load %arg6[%get3A_31, %get3A_32] : memref<1x1xf32, #tpu.memory_space<vmem>>, vector<1x1xf32>
    %get3A_34 = vector.extract %get3A_33[0, 0] : f32 from vector<1x1xf32>
    %mul3A_35 = vector.broadcast %get3A_34 : f32 to vector<512x128xf32>
    %mul3A_36 = arith.mulf %get3A_30, %mul3A_35 : vector<512x128xf32>
    %add3A_37 = arith.addf %add3A_27, %mul3A_36 : vector<512x128xf32>
    %swap3A = arith.constant 0 : index
    %swap3A_38 = arith.constant 0 : index
    %swap3A_39 = vector.load %arg7[%swap3A, %swap3A_38] : memref<512x128xf32, #tpu.memory_space<vmem>>, vector<512x128xf32>
    tpu.vector_store %arg7[%swap3A, %swap3A_38], %add3A_37 {strides = array<i32>} : memref<512x128xf32, #tpu.memory_space<vmem>>, vector<512x128xf32>,
    return
  }
  func.func @transform_0(%arg0: i32) -> (i32, i32, i32) {
    %c0_i32 = arith.constant 0 : i32
    %c0_i32_0 = arith.constant 0 : i32
    %c0_i32_1 = arith.constant 0 : i32
    return %c0_i32, %arg0, %c0_i32_0 : i32, i32, i32
  }
  func.func @transform_1(%arg0: i32) -> (i32, i32) {
    %c0_i32 = arith.constant 0 : i32
    %c0_i32_0 = arith.constant 0 : i32
    %c0_i32_1 = arith.constant 0 : i32
    return %c0_i32, %c0_i32_0 : i32, i32
  }
  func.func @transform_2(%arg0: i32) -> (i32, i32) {
    %c0_i32 = arith.constant 0 : i32
    %c0_i32_0 = arith.constant 0 : i32
    %c0_i32_1 = arith.constant 0 : i32
    return %c0_i32, %c0_i32_0 : i32, i32
  }
  func.func @transform_3(%arg0: i32) -> (i32, i32) {
    %c0_i32 = arith.constant 0 : i32
    %c0_i32_0 = arith.constant 0 : i32
    %c0_i32_1 = arith.constant 0 : i32
    return %c0_i32, %c0_i32_0 : i32, i32
  }
  func.func @transform_4(%arg0: i32) -> (i32, i32) {
    %c0_i32 = arith.constant 0 : i32
    %c0_i32_0 = arith.constant 0 : i32
    return %arg0, %c0_i32 : i32, i32
  }
  func.func @transform_5(%arg0: i32) -> (i32, i32) {
    %c0_i32 = arith.constant 0 : i32
    %c0_i32_0 = arith.constant 0 : i32
    %c0_i32_1 = arith.constant 0 : i32
    return %c0_i32, %c0_i32_0 : i32, i32
  }
  func.func @transform_6(%arg0: i32) -> (i32, i32) {
    %c0_i32 = arith.constant 0 : i32
    %c0_i32_0 = arith.constant 0 : i32
    return %arg0, %c0_i32 : i32, i32
  }
}

</mosaic_0001>

<sc_bundles>
// kernel: kernel.5.cloned.1.call-start
scs
__scs_entry_jumppad:
0x0: {  	(pc) =	sbr.rel $0x88, $3  }
0x1: {  	(tag) =	ssettag $0x0;
	lr =	simm.s32 $0x1  }
0x2: {  	[smem:$0x3F92] =	sst lr;
	_ =	strace $0xD0000000  }
0x3: {  	_ = 	snop  }
0x4: {  	_ = 	snop  }
0x5: {  	_ = 	snop  }
0x6: {  	_ = 	snop  }
0x7: {  	_ = 	snop  }
__scs_overlays_trampoline_lowered:
0x8: {  	[smem:$0x3FA1] =	sst s0  }
0x9: {  	[smem:$0x3FA2] =	sst s1  }
0xa: {  	[smem:$0x3FA3] =	sst s2  }
0xb: {  	[smem:$0x3FA4] =	sst s3  }
0xc: {  	[smem:$0x3FA5] =	sst s4  }
0xd: {  	[smem:$0x3FA6] =	sst s5  }
0xe: {  	[smem:$0x3FA7] =	sst s6  }
0xf: {  	[smem:$0x3FA8] =	sst s7  }
0x10: {  	[smem:$0x3FA9] =	sst s8  }
0x11: {  	[smem:$0x3FAA] =	sst s9;
	s0 =	simm.s32 @!p0 $0x0  }
0x12: {  	s1 =	sld [smem:$0x3F90];
	s0 =	simm.s32 @p0 $0x1  }
0x13: {  	[smem:$0x3FAB] =	sst s0;
	s0 =	simm.s32 @!p1 $0x0  }
0x14: {  	s2 =	sld [smem:$0x3F8F];
	s0 =	simm.s32 @p1 $0x1  }
0x15: {  	[smem:$0x3FAC] =	sst s0;
	s0 =	simm.s32 @!p2 $0x0  }
0x16: {  	s3 =	sld [smem:$0x3FDB];
	s0 =	simm.s32 @p2 $0x1  }
0x17: {  	s4 =	simm.s32 $0x1BF5;
	[smem:$0x3FAE] =	sst s0  }
0x18: {  	s0 =	sld [smem:$0x3F91];
	_ =	swait.ge [sflag:s4], $0x0  }
0x19: {  	s7 =	sld [smem:$0x3F92]  }
0x1a: {  	s8 =	sadd.s32 $0xFFFFE003, lr  }
0x1b: {  	s9 =	sadd.s32 $0xFFFFFEF7, lr;
	s5 =	simm.s32 $0xFFFFFFFF;
	p2 =	slt.u32 s8, $0xFFFFF086  }
0x1c: {  	p1 =	slt.u32 s9, $0xF7A;
	s5 =	simm.s32 @!p2 $0x0  }
0x1d: {  	s5 =	simm.s32 @p1 $0x1;
	p0 =	seq.s32 s7, s2  }
0x1e: {  	s7 =	smul.u32 @!p0 $0xF7A, s2;
	p2 =	seq.s32 @!p0 s5, $0x0  }
0x1f: {  	s9 =	smul.u32 $0xF7A, s1;
	s8 =	simm.s32 @!p0 $0x1BF5;
	p2 =	por !p2, p0  }
0x20: {  	[sflag:s8] =	ssyncset.s32 @!p0 $0xFFFFF086;
	s6 =	sadd.s32 @!p0 s3, s7;
	s7 =	simm.s32 @!p0 $0x108  }
0x21: {  	s3 =	sadd.s32 s3, s9;
	s6 =	sadd.s32 @!p0 $0x88, s6;
	s7 =	simm.s32 @p2 $0x1082  }
0x22: {  	[simem:s7], [sflag:s8] =	dma.local @!p0 [hbm:s6], $0xF7A  }
0x23: {  	s9 =	sor.u32 $0xD0000000, s2;
	s6 =	simm.s32 $0x108;
	_ =	swait.ge @!p0 [sflag:s8], $0x0  }
0x24: {  	s3 =	sadd.s32 $0x88, s3;
	s6 =	simm.s32 @!p1 $0x1082;
	[sflag:s4] =	ssyncset.s32 $0xFFFFF086  }
0x25: {  	[simem:s6], [sflag:s4] =	dma.local [hbm:s3], $0xF7A  }
0x26: {  	[smem:$0x3F92] =	sst s1;
	(tag) =	ssettag s2;
	_ =	strace s9  }
0x27: {  	s1 =	sld [smem:$0x3FA2]  }
0x28: {  	s2 =	sld [smem:$0x3FA3]  }
0x29: {  	s4 =	sld [smem:$0x3FA5]  }
0x2a: {  	p0 =	seq.s32 s5, $0x0;
	s5 =	sld [smem:$0x3FA6]  }
0x2b: {  	s6 =	sld [smem:$0x3FA7]  }
0x2c: {  	s7 =	sld [smem:$0x3FA8]  }
0x2d: {  	s3 =	simm.s32 $0x108;
	s8 =	sld [smem:$0x3FA9]  }
0x2e: {  	s3 =	simm.s32 @!p0 $0x1082;
	s9 =	sld [smem:$0x3FAA]  }
0x2f: {  	lr =	sadd.s32 s0, s3;
	s0 =	sld [smem:$0x3FA1]  }
0x30: {  	s3 =	sld [smem:$0x3FA4]  }
0x31: {  	[smem:$0x3FAD] =	sst s10  }
0x32: {  	s10 =	sld [smem:$0x3FAB];
	_ =	sdelay $0x3  }
0x33: {  	p0 =	seq.s32 s10, $0x1;
	s10 =	sld [smem:$0x3FAD];
	_ =	sdelay $0x3  }
0x34: {  	[smem:$0x3FAD] =	sst s10  }
0x35: {  	s10 =	sld [smem:$0x3FAC];
	_ =	sdelay $0x3  }
0x36: {  	p1 =	seq.s32 s10, $0x1;
	s10 =	sld [smem:$0x3FAD];
	_ =	sdelay $0x3  }
0x37: {  	[smem:$0x3FAD] =	sst s10  }
0x38: {  	s10 =	sld [smem:$0x3FAE]  }
0x39: {  	_ = 	snop;
	(pc) =	sbr.ind lr, $3  }
0x3a: {  	_ = 	snop  }
0x3b: {  	_ = 	snop  }
0x3c: {  	p2 =	seq.s32 s10, $0x1;
	s10 =	sld [smem:$0x3FAD]  }
0x3d: {  	_ =	shalt  }
0x3e: {  	_ =	shalt  }
0x3f: {  	_ =	shalt  }
0x40: {  	_ =	shalt  }
0x41: {  	_ =	shalt  }
0x42: {  	_ =	shalt  }
0x43: {  	_ =	shalt  }
0x44: {  	_ =	shalt  }
0x45: {  	_ =	shalt  }
0x46: {  	_ =	shalt  }
0x47: {  	_ =	shalt  }
0x48: {  	_ =	shalt  }
0x49: {  	_ =	shalt  }
0x4a: {  	_ =	shalt  }
0x4b: {  	_ =	shalt  }
0x4c: {  	_ =	shalt  }
0x4d: {  	_ =	shalt  }
0x4e: {  	_ =	shalt  }
0x4f: {  	_ =	shalt  }
0x50: {  	_ =	shalt  }
0x51: {  	_ =	shalt  }
0x52: {  	_ =	shalt  }
0x53: {  	_ =	shalt  }
0x54: {  	_ =	shalt  }
0x55: {  	_ =	shalt  }
0x56: {  	_ =	shalt  }
0x57: {  	_ =	shalt  }
0x58: {  	_ =	shalt  }
0x59: {  	_ =	shalt  }
0x5a: {  	_ =	shalt  }
0x5b: {  	_ =	shalt  }
0x5c: {  	_ =	shalt  }
0x5d: {  	_ =	shalt  }
0x5e: {  	_ =	shalt  }
0x5f: {  	_ =	shalt  }
0x60: {  	_ =	shalt  }
0x61: {  	_ =	shalt  }
0x62: {  	_ =	shalt  }
0x63: {  	_ =	shalt  }
0x64: {  	_ =	shalt  }
0x65: {  	_ =	shalt  }
0x66: {  	_ =	shalt  }
0x67: {  	_ =	shalt  }
0x68: {  	_ =	shalt  }
0x69: {  	_ =	shalt  }
0x6a: {  	_ =	shalt  }
0x6b: {  	_ =	shalt  }
0x6c: {  	_ =	shalt  }
0x6d: {  	_ =	shalt  }
0x6e: {  	_ =	shalt  }
0x6f: {  	_ =	shalt  }
0x70: {  	_ =	shalt  }
0x71: {  	_ =	shalt  }
0x72: {  	_ =	shalt  }
0x73: {  	_ =	shalt  }
0x74: {  	_ =	shalt  }
0x75: {  	_ =	shalt  }
0x76: {  	_ =	shalt  }
0x77: {  	_ =	shalt  }
0x78: {  	_ =	shalt  }
0x79: {  	_ =	shalt  }
0x7a: {  	_ =	shalt  }
0x7b: {  	_ =	shalt  }
0x7c: {  	_ =	shalt  }
0x7d: {  	_ =	shalt  }
0x7e: {  	_ =	shalt  }
0x7f: {  	_ =	shalt  }
0x80: {  	_ =	shalt  }
0x81: {  	_ =	shalt  }
0x82: {  	_ =	shalt  }
0x83: {  	_ =	shalt  }
0x84: {  	_ =	shalt  }
0x85: {  	_ =	shalt  }
0x86: {  	_ =	shalt  }
0x87: {  	_ =	shalt  }
.Lfunc_end0:
.L_simem_size_0:
called_computation_lowered:
.L_overlay_start_0:
0x88: {  	s2 =	sld [smem:$0x3FD9]  }
0x89: {  	s3 =	sld [smem:$0x3FFE];
	_ =	sdelay $0x1  }
0x8a: {  	s1 =	srdreg.scid  }
0x8b: {  	s0 =	sand.u32 $0x1, s1  }
0x8c: {  	s17 =	sshll.u32 s0, $0xA;
	s2 =	sadd.s32 s3, s2  }
0x8d: {  	s2 =	sadd.s32 s2, s17  }
0x8e: {  	[smem:$0x3FB9] =	sst s2  }
0x8f: {  	_ = 	snop  }
0x90: {  	s2 =	sld [smem:$0x3FD0];
	(tm) =	ssettm $0x1  }
0x91: {  	s18 =	sld [smem:$0x3FFB];
	_ =	sdelay $0x3  }
0x92: {  	_ =	strace s18  }
0x93: {  	s3 =	sld [smem:$0x3FFC];
	_ =	sdelay $0x3  }
0x94: {  	_ =	strace s3  }
0x95: {  	s3 =	sld [smem:$0x3FFD];
	_ =	sdelay $0x3  }
0x96: {  	_ =	strace s3  }
0x97: {  	_ =	strace $0x8FFFFFFF  }
0x98: {  	s19 =	sld [smem:$0x3FDB];
	_ =	sdelay $0x1  }
0x99: {  	s4 =	simm.s32 $_scs_section_size  }
0x9a: {  	s5 =	simm.s32 $_size__tile_overlayer_lowered;
	s6 =	simm.s32 $_tile_overlayer_lowered  }
0x9b: {  	s22 =	simm.s32 $0x1BFF;
	s21 =	sshll.u32 s6, $0x1;
	s3 =	sadd.s32 s4, s19  }
0x9c: {  	s7 =	simm.s32 $0x0;
	s20 =	sshll.u32 s5, $0x1;
	s5 =	sadd.s32 s21, s3  }
0x9d: {  	[timem:s7], [sflag:s22] =	dma.local [hbm:s5], s20  }
0x9e: {  	_ =	swait.ge [sflag:s22], s20  }
0x9f: {  	s4 =	ssub.s32 $0x0, s20;
	[sflag:s22] =	ssyncset.done $0x0  }
0xa0: {  	[sflag:s22] =	ssyncadd.s32 s4;
	_ =	sdelay $0x1  }
0xa1: {  	s23 =	simm.s32 $0x1B8B  }
0xa2: {  	_ =	swait.ge [sflag:s23], $0x1  }
0xa3: {  	[sflag:s23] =	ssyncset.done $0x0  }
0xa4: {  	s25 =	simm.s32 $0x1B8E;
	s24 =	sld [smem:$0x3FFE];
	[sflag:s23] =	ssyncadd.s32 $0xFFFFFFFF  }
0xa5: {  	s26 =	simm.s32 $execute0_lowered;
	[smem:$0x3FD2] =	sst s25  }
0xa6: {  	s5 =	sshll.u32 s26, $0x1;
	_ =	strace $0x80000046;
	[dreg:$0x1] =	wrdreg $0xFFFFFFFF  }
0xa7: {  	s28 =	simm.s32 $_size_execute0_lowered;
	s3 =	sadd.s32 s3, s5;
	[dreg:$0x0] =	wrdreg $0x0  }
0xa8: {  	s5 =	sshll.u32 s28, $0x1;
	[dreg:$0x2] =	wrdreg s3  }
0xa9: {  	[dreg:$0x3] =	wrdreg s5  }
0xaa: {  	[dreg:$0x4] =	wrdreg $0xC0  }
0xab: {  	_ =	task [dreg:s7], $0x5FFFF  }
0xac: {  	[dreg:$0x1] =	wrdreg $0xFFFFFFFF  }
0xad: {  	[dreg:$0x0] =	wrdreg $0x60  }
0xae: {  	[dreg:$0x2] =	wrdreg s24  }
0xaf: {  	[dreg:$0x3] =	wrdreg s2  }
0xb0: {  	[dreg:$0x4] =	wrdreg $0x84800  }
0xb1: {  	[dreg:$0x5] =	wrdreg $0x9  }
0xb2: {  	_ =	task.clear_ibuf [dreg:s7], $0x6FFFF;
	_ =	strace $0x90000046  }
0xb3: {  	s29 =	simm.s32 $0x9;
	_ =	strace $0x80000048  }
0xb4: {  	_ =	swait.ge [sflag:s29], $0x1  }
0xb5: {  	[sflag:s29] =	ssyncadd.s32 $0xFFFFFFFF  }
0xb6: {  	_ =	strace $0x90000048  }
0xb7: {  	_ =	sfence  }
0xb8: {  	s30 =	sld [smem:$0x0];
	_ =	sdelay $0x2  }
0xb9: {  	s31 =	sshll.u32 s1, $0xD;
	s1 =	sshrl.u32 s1, $0x2  }
0xba: {  	s3 =	sand.u32 $0x4000, s31;
	s1 =	sadd.s32 s1, s30  }
0xbb: {  	s0 =	sor.u32 s3, s0;
	s1 =	sshll.u32 s1, $0x11  }
0xbc: {  	s0 =	sor.u32 s1, s0  }
0xbd: {  	s0 =	sadd.s32 $0x8F2B, s0  }
0xbe: {  	[sflag:s0] =	ssyncadd.remote.s32 $0x1  }
0xbf: {  	_ =	sfence.sel $0xFFFF  }
0xc0: {  	[dreg:$0x0] =	wrdreg $0xFFFFFFFF;
	(pc) =	sbr.abs _section_cstart, $3  }
0xc1: {  	[dreg:$0x1] =	wrdreg $0xFFFFFFFF  }
0xc2: {  	_ =	task.clear_ibuf [dreg:s7], $0x2FFFF;
	_ =	strace $0x9FFFFFFF  }
0xc3: {  	(tm) =	ssettm $0x7FFFFFFF  }
tec
execute0_lowered:
.L_overlay_start_1:
0x0: {  	(tag) =	ssettag $0x1  }
0x1: {  	s0 =	rddreg [dreg:$0x0]  }
0x2: {  	s2 =	rddreg [dreg:$0x1]  }
0x3: {  	s3 =	rddreg [dreg:$0x2]  }
0x4: {  	s1 =	srdreg.scid;
	s12 =	stileid.u32  }
0x5: {  	s4 =	simm.s32 $0x0;
	s21 =	simm.s32 $0x6080;
	s22 =	simm.s32 $0x3  }
0x6: {  	s23 =	simm.s32 $0x40;
	s24 =	simm.s32 $0x80;
	s25 =	simm.s32 $0x4080  }
0x7: {  	s26 =	simm.s32 $0x1;
	s28 =	simm.s32 $0x2;
	s29 =	simm.s32 $0x0  }
0x8: {  	s1 =	sand.u32 $0x1, s1;
	s8 =	smul.u32 $0x16800, s12;
	[smem:$0x7FF] =	sst s4  }
0x9: {  	s5 =	sadd.s32 $0x79600, s0;
	s6 =	sadd.s32 $0x51600, s0;
	s10 =	smul.u32 $0x5A000, s12  }
0xa: {  	s31 =	sshll.u32 s12, $0x1;
	s7 =	smul.u32 $0x168000, s1;
	s11 =	ssub.s32 $0x2, s1  }
0xb: {  	_ =	strace $0x80000047;
	s1 =	sor.u32 s1, s31;
	s30 =	sshrl.u32 s11, $0x1  }
0xc: {  	s10 =	sshrl.u32 s10, $0x2;
	s18 =	smul.u32 $0x1400, s1;
	s9 =	sadd.s32 s8, s7  }
0xd: {  	s7 =	sadd.s32 $0x1600, s0;
	s17 =	sadd.s32 s10, s3;
	s8 =	sadd.s32 s8, s3  }
0xe: {  	s9 =	sshrl.u32 s9, $0x3;
	s10 =	sadd.s32 $0x2400, s17;
	s12 =	sadd.s32 $0x9000, s17  }
0xf: {  	s13 =	sadd.s32 $0xB400, s17;
	s14 =	sadd.s32 $0xD800, s17;
	s15 =	sadd.s32 $0xFC00, s17  }
0x10: {  	v0 =	vimm.f32 $0.0e+00;
	vm0 =	vmmov $0x1;
	vm1 =	vcmask $0x308;
	s16 =	sadd.s32 $0x12000, s17;
	s0 =	sadd.s32 s9, s0;
	s9 =	ssub.s32 s11, s30  }
0x11: {  	vm2 =	vcmask $0x70C;
	vm3 =	vcmask $0xB10;
	vm4 =	vcmask $0xF14;
	[dreg:$0x4] =	wrdreg s10;
	s10 =	sadd.s32 $0x4800, s17;
	s11 =	sadd.s32 $0x6C00, s17  }
0x12: {  	vm5 =	vcmask $0x1318;
	vm6 =	vcmask $0x171C;
	vm7 =	vcmask $0x1B20;
	s17 =	sadd.s32 $0x14400, s17;
	s19 =	sadd.s32 $0xC9600, s0;
	s20 =	smax.u32 s9, $0x1  }
.LBB2_1:
0x13: {  	s0 =	simm.s32 $0x0;
	s1 =	simm.s32 $0x240  }
.LBB2_2:
0x14: {  	p0 =	sne.s32 s1, $0x8DC0;
	[tilespmem:s0+$0x6100] =	vst v0  }
0x15: {  	[tilespmem:s0+$0x6080] =	vst v0  }
0x16: {  	[tilespmem:s0+$0x6090] =	vst v0  }
0x17: {  	[tilespmem:s0+$0x60A0] =	vst v0  }
.Ltmp0:
0x18: {  	[tilespmem:s0+$0x60B0] =	vst v0;
	(pc) =	sbr.rel @p0 .LBB2_2-.Ltmp0, $4  }
0x19: {  	[tilespmem:s0+$0x60C0] =	vst v0  }
0x1a: {  	[tilespmem:s0+$0x60D0] =	vst v0  }
0x1b: {  	[tilespmem:s0+$0x60E0] =	vst v0  }
0x1c: {  	[tilespmem:s0+$0x60F0] =	vst v0;
	s0 =	sshra.s32 s1, $0x2;
	s1 =	sadd.s32 $0x240, s1  }
0x1d: {  	[tilespmem:s0+$0x6100] =	vst v0  }
0x1e: {  	[tilespmem:s0+$0x6080] =	vst v0  }
0x1f: {  	[tilespmem:s0+$0x6090] =	vst v0  }
0x20: {  	[tilespmem:s0+$0x60A0] =	vst v0  }
0x21: {  	[tilespmem:s0+$0x60B0] =	vst v0  }
0x22: {  	[tilespmem:s0+$0x60C0] =	vst v0  }
0x23: {  	[tilespmem:s0+$0x60D0] =	vst v0  }
0x24: {  	[tilespmem:s0+$0x60E0] =	vst v0  }
0x25: {  	[tilespmem:s0+$0x60F0] =	vst v0  }
0x26: {  	[spmem:s8] =	stream.linear.scatter [tilespmem:s21], [sflag:$0x3], $0x2400, $0x38;
	[tilespmem:$0x1EC80] =	vst v63  }
0x27: {  	_ =	swait.ge [sflag:s22], $0x2400  }
0x28: {  	[sflag:s22] =	ssyncset.done $0x0  }
0x29: {  	s31 =	rddreg [dreg:$0x4];
	[sflag:s22] =	ssyncadd.s32 $0xFFFFDC00  }
0x2a: {  	[spmem:s31] =	stream.linear.scatter [tilespmem:s21], [sflag:$0x3], $0x2400, $0x38;
	[tilespmem:$0x1EC80] =	vst v63  }
0x2b: {  	_ =	swait.ge [sflag:s22], $0x2400  }
0x2c: {  	[sflag:s22] =	ssyncset.done $0x0  }
0x2d: {  	[sflag:s22] =	ssyncadd.s32 $0xFFFFDC00  }
0x2e: {  	[spmem:s10] =	stream.linear.scatter [tilespmem:s21], [sflag:$0x3], $0x2400, $0x38;
	[tilespmem:$0x1EC80] =	vst v63  }
0x2f: {  	_ =	swait.ge [sflag:s22], $0x2400  }
0x30: {  	[sflag:s22] =	ssyncset.done $0x0  }
0x31: {  	[sflag:s22] =	ssyncadd.s32 $0xFFFFDC00  }
0x32: {  	[spmem:s11] =	stream.linear.scatter [tilespmem:s21], [sflag:$0x3], $0x2400, $0x38;
	[tilespmem:$0x1EC80] =	vst v63  }
0x33: {  	_ =	swait.ge [sflag:s22], $0x2400  }
0x34: {  	[sflag:s22] =	ssyncset.done $0x0  }
0x35: {  	[sflag:s22] =	ssyncadd.s32 $0xFFFFDC00  }
0x36: {  	[spmem:s12] =	stream.linear.scatter [tilespmem:s21], [sflag:$0x3], $0x2400, $0x38;
	[tilespmem:$0x1EC80] =	vst v63  }
0x37: {  	_ =	swait.ge [sflag:s22], $0x2400  }
0x38: {  	[sflag:s22] =	ssyncset.done $0x0  }
0x39: {  	[sflag:s22] =	ssyncadd.s32 $0xFFFFDC00  }
0x3a: {  	[spmem:s13] =	stream.linear.scatter [tilespmem:s21], [sflag:$0x3], $0x2400, $0x38;
	[tilespmem:$0x1EC80] =	vst v63  }
0x3b: {  	_ =	swait.ge [sflag:s22], $0x2400  }
0x3c: {  	[sflag:s22] =	ssyncset.done $0x0  }
0x3d: {  	[sflag:s22] =	ssyncadd.s32 $0xFFFFDC00  }
0x3e: {  	[spmem:s14] =	stream.linear.scatter [tilespmem:s21], [sflag:$0x3], $0x2400, $0x38;
	[tilespmem:$0x1EC80] =	vst v63  }
0x3f: {  	_ =	swait.ge [sflag:s22], $0x2400  }
0x40: {  	[sflag:s22] =	ssyncset.done $0x0  }
0x41: {  	[sflag:s22] =	ssyncadd.s32 $0xFFFFDC00  }
0x42: {  	[spmem:s15] =	stream.linear.scatter [tilespmem:s21], [sflag:$0x3], $0x2400, $0x38;
	[tilespmem:$0x1EC80] =	vst v63  }
0x43: {  	_ =	swait.ge [sflag:s22], $0x2400  }
0x44: {  	[sflag:s22] =	ssyncset.done $0x0  }
0x45: {  	[sflag:s22] =	ssyncadd.s32 $0xFFFFDC00  }
0x46: {  	[spmem:s16] =	stream.linear.scatter [tilespmem:s21], [sflag:$0x3], $0x2400, $0x38;
	[tilespmem:$0x1EC80] =	vst v63  }
0x47: {  	_ =	swait.ge [sflag:s22], $0x2400  }
0x48: {  	[sflag:s22] =	ssyncset.done $0x0  }
0x49: {  	[sflag:s22] =	ssyncadd.s32 $0xFFFFDC00  }
0x4a: {  	[spmem:s17] =	stream.linear.scatter [tilespmem:s21], [sflag:$0x3], $0x2400, $0x38;
	[tilespmem:$0x1EC80] =	vst v63  }
0x4b: {  	_ =	swait.ge [sflag:s22], $0x2400  }
0x4c: {  	[sflag:s22] =	ssyncset.done $0x0  }
0x4d: {  	[sflag:s22] =	ssyncadd.s32 $0xFFFFDC00  }
0x4e: {  	s30 =	simm.s32 $0x0;
	[bflag:$0x0] =	sbarrier.arrive $0xFFFF  }
.LBB2_4:
0x4f: {  	s0 =	sshll.u32 s30, $0x6  }
0x50: {  	s0 =	sadd.s32 s18, s0  }
0x51: {  	s0 =	sshrl.u32 s0, $0x3  }
0x52: {  	s1 =	sadd.s32 s2, s0  }
0x53: {  	[tilespmem:s29], [sflag:$0x3] =	stream.linear.gather [hbm4b:s1+s29], $0x40, $0x38;
	[tilespmem:$0x1EC80] =	vst v63  }
0x54: {  	_ =	swait.ge [sflag:s22], $0x40  }
0x55: {  	[sflag:s22] =	ssyncset.done $0x0  }
0x56: {  	s0 =	sadd.s32 s7, s0;
	[sflag:s22] =	ssyncadd.s32 $0xFFFFFFC0  }
0x57: {  	[tilespmem:s23], [sflag:$0x3] =	stream.linear.gather [hbm4b:s0+s29], $0x40, $0x38;
	[tilespmem:$0x1EC80] =	vst v63  }
0x58: {  	_ =	swait.ge [sflag:s22], $0x40  }
0x59: {  	[sflag:s22] =	ssyncset.done $0x0  }
0x5a: {  	[sflag:s22] =	ssyncadd.s32 $0xFFFFFFC0  }
0x5b: {  	[tilespmem:s24], [sflag:$0x1] =	stream.indirect.gather [hbm4b:s5+s23], $0x100, s29, s23, $0xb8;
	[tilespmem:$0x1EC80] =	vst v63  }
0x5c: {  	_ = 	snop  }
0x5d: {  	[tilespmem:s25], [sflag:$0x2] =	stream.indirect.gather [hbm4b:s6+s23], $0x80, s23, s23, $0xb8;
	[tilespmem:$0x1EC80] =	vst v63  }
0x5e: {  	_ =	swait.ge [sflag:s26], $0x4000  }
0x5f: {  	[sflag:s26] =	ssyncset.done $0x0  }
0x60: {  	[sflag:s26] =	ssyncadd.s32 $0xFFFFC000  }
0x61: {  	_ =	swait.ge [sflag:s28], $0x2000  }
0x62: {  	s31 =	simm.s32 $0x60C0;
	[sflag:s28] =	ssyncset.done $0x0  }
0x63: {  	s1 =	simm.s32 $0x0;
	s0 =	simm.s32 $0x100;
	[sflag:s28] =	ssyncadd.s32 $0xFFFFE000  }
.LBB2_5:
0x64: {  	v1 =	vld [tilespmem:s0+$0xFFFFFF80];
	s9 =	sshra.s32 s1, $0x2  }
0x65: {  	v2 =	vld [tilespmem:s9+$0x4080];
	_ =	sdelay $0x4  }
0x66: {  	v1 =	vmul.f32 v2, v1;
	_ =	sdelay $0x1  }
0x67: {  	(xrf2) =	vadd.scan.msk.f32 $0xffff, v1;
	_ =	sdelay $0x9  }
0x68: {  	v1, _, _ =	vpop (xrf2)  }
0x69: {  	v1 =	vmul.f32 $1.442695020e+00, v1;
	_ =	sdelay $0x1  }
0x6a: {  	v1 =	vbroadcast v1, $0xF;
	_ =	sdelay $0x1  }
0x6b: {  	(erf) = vpow2.f32 v1;
	_ =	sdelay $0x4  }
0x6c: {  	v1 =	vld [tilespmem:s0+$0x0];
	_ =	sdelay $0x3  }
0x6d: {  	v2 =	vpop (erf)  }
0x6e: {  	v1 =	vmul.f32 v2, v1;
	_ =	sdelay $0x1  }
0x6f: {  	[tilespmem:s31+$0xFFFFFFC0] =	vst v1  }
0x70: {  	v1 =	vld [tilespmem:s0+$0xFFFFFF90]  }
0x71: {  	v3 =	vld [tilespmem:s9+$0x4090];
	_ =	sdelay $0x4  }
0x72: {  	v1 =	vmul.f32 v3, v1;
	_ =	sdelay $0x1  }
0x73: {  	(xrf2) =	vadd.scan.msk.f32 $0xffff, v1;
	_ =	sdelay $0x9  }
0x74: {  	v1, _, _ =	vpop (xrf2)  }
0x75: {  	v1 =	vmul.f32 $1.442695020e+00, v1;
	_ =	sdelay $0x1  }
0x76: {  	v1 =	vbroadcast v1, $0xF;
	_ =	sdelay $0x1  }
0x77: {  	(erf) = vpow2.f32 v1;
	_ =	sdelay $0x4  }
0x78: {  	v1 =	vld [tilespmem:s0+$0x10];
	_ =	sdelay $0x3  }
0x79: {  	v3 =	vpop (erf)  }
0x7a: {  	v1 =	vmul.f32 v3, v1;
	_ =	sdelay $0x1  }
0x7b: {  	[tilespmem:s31+$0xFFFFFFD0] =	vst v1  }
0x7c: {  	v1 =	vld [tilespmem:s0+$0xFFFFFFA0]  }
0x7d: {  	v4 =	vld [tilespmem:s9+$0x40A0];
	_ =	sdelay $0x4  }
0x7e: {  	v1 =	vmul.f32 v4, v1;
	_ =	sdelay $0x1  }
0x7f: {  	(xrf2) =	vadd.scan.msk.f32 $0xffff, v1;
	_ =	sdelay $0x9  }
0x80: {  	v1, _, _ =	vpop (xrf2)  }
0x81: {  	v1 =	vmul.f32 $1.442695020e+00, v1;
	_ =	sdelay $0x1  }
0x82: {  	v1 =	vbroadcast v1, $0xF;
	_ =	sdelay $0x1  }
0x83: {  	(erf) = vpow2.f32 v1;
	_ =	sdelay $0x4  }
0x84: {  	v1 =	vld [tilespmem:s0+$0x20];
	_ =	sdelay $0x3  }
0x85: {  	v59 =	vpop (erf)  }
0x86: {  	v1 =	vmul.f32 v59, v1;
	_ =	sdelay $0x1  }
0x87: {  	[tilespmem:s31+$0xFFFFFFE0] =	vst v1  }
0x88: {  	v1 =	vld [tilespmem:s0+$0xFFFFFFB0]  }
0x89: {  	v5 =	vld [tilespmem:s9+$0x40B0];
	_ =	sdelay $0x4  }
0x8a: {  	v1 =	vmul.f32 v5, v1;
	_ =	sdelay $0x1  }
0x8b: {  	(xrf2) =	vadd.scan.msk.f32 $0xffff, v1;
	_ =	sdelay $0x9  }
0x8c: {  	v1, _, _ =	vpop (xrf2)  }
0x8d: {  	v1 =	vmul.f32 $1.442695020e+00, v1;
	_ =	sdelay $0x1  }
0x8e: {  	v1 =	vbroadcast v1, $0xF;
	_ =	sdelay $0x1  }
0x8f: {  	(erf) = vpow2.f32 v1;
	_ =	sdelay $0x4  }
0x90: {  	v1 =	vld [tilespmem:s0+$0x30];
	_ =	sdelay $0x3  }
0x91: {  	v60 =	vpop (erf)  }
0x92: {  	v1 =	vmul.f32 v60, v1;
	_ =	sdelay $0x1  }
0x93: {  	[tilespmem:s31+$0xFFFFFFF0] =	vst v1  }
0x94: {  	v1 =	vld [tilespmem:s0+$0xFFFFFFC0]  }
0x95: {  	v6 =	vld [tilespmem:s9+$0x40C0];
	_ =	sdelay $0x4  }
0x96: {  	v1 =	vmul.f32 v6, v1;
	_ =	sdelay $0x1  }
0x97: {  	(xrf2) =	vadd.scan.msk.f32 $0xffff, v1;
	_ =	sdelay $0x9  }
0x98: {  	v1, _, _ =	vpop (xrf2)  }
0x99: {  	v1 =	vmul.f32 $1.442695020e+00, v1;
	_ =	sdelay $0x1  }
0x9a: {  	v1 =	vbroadcast v1, $0xF;
	_ =	sdelay $0x1  }
0x9b: {  	(erf) = vpow2.f32 v1;
	_ =	sdelay $0x4  }
0x9c: {  	v1 =	vld [tilespmem:s0+$0x40];
	_ =	sdelay $0x3  }
0x9d: {  	v61 =	vpop (erf)  }
0x9e: {  	v1 =	vmul.f32 v61, v1;
	_ =	sdelay $0x1  }
0x9f: {  	[tilespmem:s31+$0x0] =	vst v1  }
0xa0: {  	v1 =	vld [tilespmem:s0+$0xFFFFFFD0]  }
0xa1: {  	v7 =	vld [tilespmem:s9+$0x40D0];
	_ =	sdelay $0x4  }
0xa2: {  	v1 =	vmul.f32 v7, v1;
	_ =	sdelay $0x1  }
0xa3: {  	(xrf2) =	vadd.scan.msk.f32 $0xffff, v1;
	_ =	sdelay $0x9  }
0xa4: {  	v1, _, _ =	vpop (xrf2)  }
0xa5: {  	v1 =	vmul.f32 $1.442695020e+00, v1;
	_ =	sdelay $0x1  }
0xa6: {  	v1 =	vbroadcast v1, $0xF;
	_ =	sdelay $0x1  }
0xa7: {  	(erf) = vpow2.f32 v1;
	_ =	sdelay $0x4  }
0xa8: {  	v1 =	vld [tilespmem:s0+$0x50];
	_ =	sdelay $0x3  }
0xa9: {  	v62 =	vpop (erf)  }
0xaa: {  	v1 =	vmul.f32 v62, v1;
	_ =	sdelay $0x1  }
0xab: {  	[tilespmem:s31+$0x10] =	vst v1  }
0xac: {  	v1 =	vld [tilespmem:s0+$0xFFFFFFE0]  }
0xad: {  	v8 =	vld [tilespmem:s9+$0x40E0];
	_ =	sdelay $0x4  }
0xae: {  	v1 =	vmul.f32 v8, v1;
	_ =	sdelay $0x1  }
0xaf: {  	(xrf2) =	vadd.scan.msk.f32 $0xffff, v1;
	_ =	sdelay $0x9  }
0xb0: {  	v1, _, _ =	vpop (xrf2)  }
0xb1: {  	v1 =	vmul.f32 $1.442695020e+00, v1;
	_ =	sdelay $0x1  }
0xb2: {  	v1 =	vbroadcast v1, $0xF;
	_ =	sdelay $0x1  }
0xb3: {  	(erf) = vpow2.f32 v1;
	_ =	sdelay $0x4  }
0xb4: {  	v1 =	vld [tilespmem:s0+$0x60];
	_ =	sdelay $0x3  }
0xb5: {  	v63 =	vpop (erf)  }
0xb6: {  	v1 =	vmul.f32 v63, v1;
	_ =	sdelay $0x1  }
0xb7: {  	[tilespmem:s31+$0x20] =	vst v1  }
0xb8: {  	v1 =	vld [tilespmem:s0+$0xFFFFFFF0]  }
0xb9: {  	v9 =	vld [tilespmem:s9+$0x40F0];
	_ =	sdelay $0x4  }
0xba: {  	v1 =	vmul.f32 v9, v1;
	_ =	sdelay $0x1  }
0xbb: {  	(xrf2) =	vadd.scan.msk.f32 $0xffff, v1;
	_ =	sdelay $0x9  }
0xbc: {  	v1, _, _ =	vpop (xrf2)  }
0xbd: {  	v2 =	vnsel vm0, $0x0, v2;
	v1 =	vmul.f32 $1.442695020e+00, v1  }
0xbe: {  	v2 =	vadd.f32 $0.0e+00, v2  }
0xbf: {  	v3 =	vsel vm1, $0x0, v3;
	v1 =	vbroadcast v1, $0xF  }
0xc0: {  	v2 =	vadd.f32 v3, v2  }
0xc1: {  	(erf) = vpow2.f32 v1;
	v1 =	vsel vm2, $0x0, v59  }
0xc2: {  	v1 =	vadd.f32 v1, v2  }
0xc3: {  	v2 =	vsel vm3, $0x0, v60  }
0xc4: {  	v1 =	vadd.f32 v2, v1  }
0xc5: {  	v2 =	vsel vm4, $0x0, v61  }
0xc6: {  	v1 =	vadd.f32 v2, v1  }
0xc7: {  	v3 =	vsel vm5, $0x0, v62;
	v2 =	vld [tilespmem:s0+$0x70]  }
0xc8: {  	v1 =	vadd.f32 v3, v1;
	v3 =	vsel vm6, $0x0, v63;
	_ =	sdelay $0x1  }
0xc9: {  	p0 =	sne.s32 s1, $0x7E00  }
.Ltmp1:
0xca: {  	v1 =	vadd.f32 v3, v1;
	v3 =	vpop (erf);
	(pc) =	sbr.rel @p0 .LBB2_5-.Ltmp1, $4  }
0xcb: {  	v2 =	vmul.f32 v3, v2;
	v3 =	vsel vm7, $0x0, v3  }
0xcc: {  	v1 =	vadd.f32 v3, v1  }
0xcd: {  	[tilespmem:s31+$0x30] =	vst v2  }
0xce: {  	s1 =	sadd.s32 $0x200, s1;
	s0 =	sadd.s32 $0x100, s0;
	[tilespmem:s31+$0x40] =	vst v1;
	s31 =	sadd.s32 $0x90, s31  }
0xcf: {  	s30 =	sadd.s32 $0x1, s30  }
0xd0: {  	p0 =	sne.s32 s30, $0x50  }
.Ltmp2:
0xd1: {  	_ = 	snop;
	(pc) =	sbr.rel @p0 .LBB2_4-.Ltmp2, $4  }
0xd2: {  	[spmem:s3] =	stream.indirect.scatter.add.f32 [tilespmem:s21], [sflag:$0x3], $0x90, s23, s23, $0xb8;
	[tilespmem:$0x1EC80] =	vst v63  }
0xd3: {  	_ =	swait.ge [sflag:s22], $0x2400  }
0xd4: {  	[sflag:s22] =	ssyncset.done $0x0  }
0xd5: {  	[sflag:s22] =	ssyncadd.s32 $0xFFFFDC00  }
0xd6: {  	s0 =	stileid.u32;
	s4 =	sadd.s32 $0x1, s4  }
0xd7: {  	[bflag:$0x0] =	sbarrier.arrive $0xFFFF;
	s0 =	sshll.u32 s0, $0x6;
	p0 =	sne.s32 s4, s20  }
.Ltmp3:
0xd8: {  	s1 =	sshrl.u32 s8, $0x3;
	s0 =	sor.u32 $0x1C03, s0;
	(pc) =	sbr.rel @p0 .LBB2_1-.Ltmp3, $4  }
0xd9: {  	[hbm:s19], [sflag:s0] =	dma.local [spmem:s1], $0x2D00  }
0xda: {  	_ =	swait.ge [sflag:s22], $0x2D00  }
0xdb: {  	[sflag:s22] =	ssyncset.done $0x0  }
0xdc: {  	[sflag:s22] =	ssyncadd.s32 $0xFFFFD300  }
0xdd: {  	_ =	sfence.sel $0x180000  }
0xde: {  	[bflag:$0x0] =	sbarrier.arrive $0xFFFF  }
0xdf: {  	_ =	strace $0x90000047  }
0xe0: {  	s0 =	stileid.u32;
	[bflag:$0x2] =	sbarrier.arrive $0xFFFF  }
0xe1: {  	p0 =	sne.s32 s0, $0x0;
	s0 =	rddreg [dreg:$0x3]  }
0xe2: {  	s0 =	sadd.s32 @!p0 $0x100000, s0  }
0xe3: {  	[sflag:s0] =	ssyncadd.tile.s32 @!p0 $0x1;
	_ =	shalt  }
.Lfunc_end2:
_tile_overlayer_lowered:
.L_overlay_start_2:
0xe4: {  	(tag) =	ssettag $0x2  }
0xe5: {  	s0 =	rddreg [dreg:$0x0];
	s2 =	stileid.u32  }
0xe6: {  	s1 =	rddreg [dreg:$0x1];
	p0 =	sne.s32 s2, $0x0  }
0xe7: {  	s3 =	rddreg [dreg:$0x2];
	[bflag:$0x3] =	sbarrier.arrive $0xFFFF;
	s2 =	simm.s32 @!p0 $0x1C03  }
0xe8: {  	[timem:s3], [sflag:s2] =	dma.local @!p0 [hbm:s0], s1  }
0xe9: {  	s0 =	simm.s32 @!p0 $0x3  }
0xea: {  	_ =	swait.ge @!p0 [sflag:s0], s1  }
0xeb: {  	s1 =	ssub.s32 @!p0 $0x0, s1;
	[sflag:s0] =	ssyncset.done @!p0 $0x0  }
0xec: {  	[sflag:s0] =	ssyncadd.s32 @!p0 s1  }
0xed: {  	[bflag:$0x3] =	sbarrier.arrive $0xFFFF  }
0xee: {  	_ =	shalt  }

</sc_bundles>
